<compile_context>
chip_gen: v7x
topology: tpu7x:2x2x1
jax: 0.10.2.dev20260603
libtpu: 0.0.44.dev20260713+nightly
codegen_flags: <defaults>
</compile_context>

<pallas_src>
import functools

import jax
import jax.numpy as jnp
import numpy as np
from jax import lax
from jax.experimental import pallas as pl
from jax.experimental.pallas import tpu as pltpu
from jax.experimental.pallas import tpu_sc as plsc

_NUM_WORKERS = 32
_LANES = 16


def _position_encoding(max_len: int, d_model: int) -> np.ndarray:
    angle_rates = 10000.0 ** (2.0 * (np.arange(d_model, dtype=np.float64) / d_model))
    angle = np.arange(max_len, dtype=np.float64)[:, None] / angle_rates
    values = np.stack([np.sin(angle[:, 0::2]), np.cos(angle[:, 1::2])], axis=2)
    return values.reshape(max_len, -1).astype(np.float32)


@functools.lru_cache(maxsize=None)
def _build(batch: int, seq_len: int, voc: int, d_model: int):
    assert batch == 1024 and seq_len % 8 == 0 and d_model == 64
    n_bh = batch // 128
    n_units = seq_len * n_bh
    assert n_units % _NUM_WORKERS == 0
    units_per_w = n_units // _NUM_WORKERS
    scale = float(np.sqrt(d_model))

    mesh = plsc.VectorSubcoreMesh(
        core_axis_name="c", subcore_axis_name="s", num_cores=2, num_subcores=16)

    def body(seq5, table, pe_hbm, out5,
             idx0, idx1, rows0, rows1, stg0, stg1, tile0, tile1, pe_v,
             gsem0, gsem1, ssem0, ssem1):
        w = lax.axis_index("s") * 2 + lax.axis_index("c")
        base_u = w * units_per_w

        pltpu.sync_copy(pe_hbm, pe_v)

        lane = lax.iota(jnp.int32, _LANES)
        row_vecs = [lane + b0 for b0 in range(0, 128, _LANES)]

        bufs = ((idx0, rows0, stg0, tile0, gsem0, ssem0),
                (idx1, rows1, stg1, tile1, gsem1, ssem1))

        def load_idx(g, idx_v):
            l = g >> 3
            bh = g & 7
            pltpu.sync_copy(seq5.at[l >> 3, bh, l & 7], idx_v)

        def unit_body(u, cur, nxt):
            idx_c, rows_c, stg_c, tile_c, gsem_c, ssem_c = cur
            idx_n, rows_n, stg_n, tile_n, gsem_n, ssem_n = nxt
            g = base_u + u
            l = g >> 3
            bh = g & 7

            @pl.when(u < units_per_w - 1)
            def _():
                load_idx(g + 1, idx_n)
                pltpu.async_copy(table.at[idx_n], rows_n, gsem_n)

            pltpu.make_async_copy(table.at[idx_c], rows_c, gsem_c).wait()

            @pl.when(u >= 2)
            def _():
                pltpu.make_async_copy(tile_c, out5.at[l, :, bh], ssem_c).wait()

            pe_s = [pe_v[l, pl.ds(s * _LANES, _LANES)] for s in range(4)]

            @plsc.parallel_loop(0, 128, 1, unroll=8)
            def _(r):
                for s in range(4):
                    sl = pl.ds(s * _LANES, _LANES)
                    stg_c[r, sl] = rows_c[r, sl] * scale + pe_s[s]

            @plsc.parallel_loop(0, 64, 1, unroll=4)
            def _(d):
                d_vec = jnp.broadcast_to(d, (_LANES,))
                dh = d >> 3
                dl = d & 7
                for b0 in range(8):
                    val = plsc.load_gather(stg_c, [row_vecs[b0], d_vec])
                    tile_c[dh, dl, pl.ds(b0 * _LANES, _LANES)] = val

            pltpu.async_copy(tile_c, out5.at[l, :, bh], ssem_c)

        load_idx(base_u, idx0)
        pltpu.async_copy(table.at[idx0], rows0, gsem0)

        def loop_body(u, carry):
            @pl.when((u & 1) == 0)
            def _():
                unit_body(u, bufs[0], bufs[1])

            @pl.when((u & 1) == 1)
            def _():
                unit_body(u, bufs[1], bufs[0])
            return carry
        lax.fori_loop(0, units_per_w, loop_body, 0)

        for last in (units_per_w - 2, units_per_w - 1):
            g = base_u + last
            l = g >> 3
            bh = g & 7
            tile_l, ssem_l = bufs[last % 2][3], bufs[last % 2][5]
            pltpu.make_async_copy(tile_l, out5.at[l, :, bh], ssem_l).wait()

    run = pl.kernel(
        body,
        out_type=jax.ShapeDtypeStruct((seq_len, 8, n_bh, 8, 128), jnp.float32),
        mesh=mesh,
        compiler_params=pltpu.CompilerParams(
            use_tc_tiling_on_sc=False, needs_layout_passes=False,
            disable_bounds_checks=True),
        scratch_types=[
            pltpu.VMEM((128,), jnp.int32),
            pltpu.VMEM((128,), jnp.int32),
            pltpu.VMEM((128, d_model), jnp.float32),
            pltpu.VMEM((128, d_model), jnp.float32),
            pltpu.VMEM((128, 80), jnp.float32),
            pltpu.VMEM((128, 80), jnp.float32),
            pltpu.VMEM((8, 8, 128), jnp.float32),
            pltpu.VMEM((8, 8, 128), jnp.float32),
            pltpu.VMEM((seq_len, d_model), jnp.float32),
            pltpu.SemaphoreType.DMA,
            pltpu.SemaphoreType.DMA,
            pltpu.SemaphoreType.DMA,
            pltpu.SemaphoreType.DMA,
        ],
    )
    return run


def kernel(sequences, emb_table):
    batch, seq_len = sequences.shape
    voc, d_model = emb_table.shape
    pe = jnp.asarray(_position_encoding(seq_len, d_model))
    run = _build(batch, seq_len, voc, d_model)
    seq5 = sequences.reshape(8, 128, seq_len // 8, 8).transpose(2, 0, 3, 1)
    out5 = run(seq5, emb_table, pe)
    out = out5.transpose(2, 4, 0, 1, 3).reshape(batch, seq_len, d_model)
    return out

# --- scband reference (transcript-rebuilt; emitter-appended) ---
"""Pipeline reference for scband-embedding-layer-37512244363845 (READ-ONLY COPY).

The authoritative reference and input builder live on the scoring server;
editing this copy changes nothing except your own understanding.
"""

import jax, jax.numpy as jnp
import numpy as np

VOC_SIZE = 100000
D_MODEL = 64
BATCH = 1024
SEQ_LEN = 200


def position_embedding(max_len, d_model):
    # Faithful port of the TF positional encoding in the original module
    angle = jnp.arange(d_model, dtype=jnp.float32)
    angle = 10000.0 ** (2.0 * (angle / d_model))
    angle = jnp.arange(max_len, dtype=jnp.float32)[:, None] / angle  # (L, d_model)
    values = jnp.stack([jnp.sin(angle[:, 0::2]), jnp.cos(angle[:, 1::2])], axis=2)  # (L, d_model//2, 2)
    pos_enc = values.reshape(values.shape[0], -1)  # interleaved sin/cos -> (L, d_model)
    return pos_enc.astype(jnp.float32)


def setup_inputs(seed: int = 0) -> dict:
    key = jax.random.key(seed)
    k1, k2 = jax.random.split(key)
    sequences = jax.random.randint(k1, (BATCH, SEQ_LEN), 0, VOC_SIZE, dtype=jnp.int32)
    emb_table = jax.random.normal(k2, (VOC_SIZE, D_MODEL), dtype=jnp.float32)
    return {"sequences": sequences, "emb_table": emb_table}


def reference(sequences, emb_table):
    d_model = emb_table.shape[1]
    max_len = sequences.shape[1]
    # embedding lookup (gather) scaled by sqrt(d_model)
    output = jnp.take(emb_table, sequences, axis=0) * jnp.sqrt(jnp.asarray(d_model, dtype=jnp.float32))
    # positional encoding added (positional_enc=True)
    output = output + position_embedding(max_len, d_model)[None, :, :]
    # dropout is identity in eval mode
    return output

if __name__ == "__main__":
    import jax
    _d = setup_inputs()
    print(jax.jit(kernel)(*tuple(_d.values())))

</pallas_src>

<mosaic_0001>
#map = affine_map<(d0, d1) -> (0, 0, 0, 0)>
#map1 = affine_map<(d0, d1) -> (0, 0)>
#map2 = affine_map<(d0, d1) -> (0, 0, 0, 0, 0)>
module attributes {stable_mosaic.version = 14 : i64} {
  func.func @body(%arg0: i32, %arg1: i32, %arg2: memref<25x8x8x128xi32, #tpu.memory_space<hbm>>, %arg3: memref<100000x64xf32, #tpu.memory_space<hbm>>, %arg4: memref<200x64xf32, #tpu.memory_space<hbm>>, %arg5: memref<200x8x8x8x128xf32, #tpu.memory_space<hbm>>, %arg6: memref<128xi32, #tpu.memory_space<vmem>>, %arg7: memref<128xi32, #tpu.memory_space<vmem>>, %arg8: memref<128x64xf32, #tpu.memory_space<vmem>>, %arg9: memref<128x64xf32, #tpu.memory_space<vmem>>, %arg10: memref<128x80xf32, #tpu.memory_space<vmem>>, %arg11: memref<128x80xf32, #tpu.memory_space<vmem>>, %arg12: memref<8x8x128xf32, #tpu.memory_space<vmem>>, %arg13: memref<8x8x128xf32, #tpu.memory_space<vmem>>, %arg14: memref<200x64xf32, #tpu.memory_space<vmem>>, %arg15: memref<!tpu.dma_semaphore, #tpu.memory_space<semaphore_mem>>, %arg16: memref<!tpu.dma_semaphore, #tpu.memory_space<semaphore_mem>>, %arg17: memref<!tpu.dma_semaphore, #tpu.memory_space<semaphore_mem>>, %arg18: memref<!tpu.dma_semaphore, #tpu.memory_space<semaphore_mem>>) attributes {dimension_semantics = [#tpu.dimension_semantics<core_parallel>, #tpu.dimension_semantics<subcore_parallel>], iteration_bounds = array<i64: 2, 16>, scalar_prefetch = 0 : i64, scratch_operands = 13 : i64, tpu.core_type = #tpu.core_type<sc_vector_subcore>, window_params = [{transform_indices = #map}, {transform_indices = #map1}, {transform_indices = #map1}, {transform_indices = #map2}]} {
    %mul3A = arith.constant 2 : i32
    %mul3A_0 = arith.muli %arg1, %mul3A : i32
    %add3A = arith.addi %mul3A_0, %arg0 : i32
    %mul3A_1 = arith.constant 50 : i32
    %mul3A_2 = arith.muli %add3A, %mul3A_1 : i32
    "tpu.region"() ({
      %run_scoped3A = tpu.sem_alloc : memref<!tpu.dma_semaphore, #tpu.memory_space<semaphore_mem>>
      tpu.enqueue_dma source(%arg4 : memref<200x64xf32, #tpu.memory_space<hbm>>) target(%arg14 : memref<200x64xf32, #tpu.memory_space<vmem>>) target_semaphore(%run_scoped3A : memref<!tpu.dma_semaphore, #tpu.memory_space<semaphore_mem>>)
      tpu.wait_dma2 semaphore(%run_scoped3A : memref<!tpu.dma_semaphore, #tpu.memory_space<semaphore_mem>>) src(%arg4 : memref<200x64xf32, #tpu.memory_space<hbm>>) dst(%arg14 : memref<200x64xf32, #tpu.memory_space<vmem>>)
      tpu.yield
    }) : () -> ()
    %iota3A = tpu.iota {dimensions = array<i32: 0>} : vector<16xi32>
    %add3A_3 = arith.constant 0 : i32
    %add3A_4 = vector.broadcast %add3A_3 : i32 to vector<16xi32>
    %add3A_5 = arith.addi %iota3A, %add3A_4 : vector<16xi32>
    %add3A_6 = arith.constant 16 : i32
    %add3A_7 = vector.broadcast %add3A_6 : i32 to vector<16xi32>
    %add3A_8 = arith.addi %iota3A, %add3A_7 : vector<16xi32>
    %add3A_9 = arith.constant 32 : i32
    %add3A_10 = vector.broadcast %add3A_9 : i32 to vector<16xi32>
    %add3A_11 = arith.addi %iota3A, %add3A_10 : vector<16xi32>
    %add3A_12 = arith.constant 48 : i32
    %add3A_13 = vector.broadcast %add3A_12 : i32 to vector<16xi32>
    %add3A_14 = arith.addi %iota3A, %add3A_13 : vector<16xi32>
    %add3A_15 = arith.constant 64 : i32
    %add3A_16 = vector.broadcast %add3A_15 : i32 to vector<16xi32>
    %add3A_17 = arith.addi %iota3A, %add3A_16 : vector<16xi32>
    %add3A_18 = arith.constant 80 : i32
    %add3A_19 = vector.broadcast %add3A_18 : i32 to vector<16xi32>
    %add3A_20 = arith.addi %iota3A, %add3A_19 : vector<16xi32>
    %add3A_21 = arith.constant 96 : i32
    %add3A_22 = vector.broadcast %add3A_21 : i32 to vector<16xi32>
    %add3A_23 = arith.addi %iota3A, %add3A_22 : vector<16xi32>
    %add3A_24 = arith.constant 112 : i32
    %add3A_25 = vector.broadcast %add3A_24 : i32 to vector<16xi32>
    %add3A_26 = arith.addi %iota3A, %add3A_25 : vector<16xi32>
    %shift_right_arithmetic3A = arith.constant 3 : i32
    %shift_right_arithmetic3A_27 = arith.shrsi %mul3A_2, %shift_right_arithmetic3A : i32
    %and3A = arith.constant 7 : i32
    %and3A_28 = arith.andi %mul3A_2, %and3A : i32
    %shift_right_arithmetic3A_29 = arith.constant 3 : i32
    %shift_right_arithmetic3A_30 = arith.shrsi %shift_right_arithmetic3A_27, %shift_right_arithmetic3A_29 : i32
    %and3A_31 = arith.constant 7 : i32
    %and3A_32 = arith.andi %shift_right_arithmetic3A_27, %and3A_31 : i32
    "tpu.region"() ({
      %run_scoped3A = tpu.sem_alloc : memref<!tpu.dma_semaphore, #tpu.memory_space<semaphore_mem>>
      %dma_start3A_71 = arith.constant 0 : i32
      %dma_start3A_72 = tpu.memref_slice %arg2[%shift_right_arithmetic3A_30, %and3A_28, %and3A_32, %dma_start3A_71] : memref<25x8x8x128xi32, #tpu.memory_space<hbm>> -> memref<1x1x1x128xi32, #tpu.memory_space<hbm>>
      %dma_start3A_73 = tpu.memref_squeeze %dma_start3A_72 : memref<1x1x1x128xi32, #tpu.memory_space<hbm>> -> memref<128xi32, #tpu.memory_space<hbm>>
      %dma_start3A_74 = arith.constant 0 : i32
      %dma_start3A_75 = tpu.memref_slice %arg2[%shift_right_arithmetic3A_30, %and3A_28, %and3A_32, %dma_start3A_74] : memref<25x8x8x128xi32, #tpu.memory_space<hbm>> -> memref<1x1x1x128xi32, #tpu.memory_space<hbm>>
      %dma_start3A_76 = tpu.memref_squeeze %dma_start3A_75 : memref<1x1x1x128xi32, #tpu.memory_space<hbm>> -> memref<128xi32, #tpu.memory_space<hbm>>
      tpu.enqueue_dma source(%dma_start3A_76 : memref<128xi32, #tpu.memory_space<hbm>>) target(%arg6 : memref<128xi32, #tpu.memory_space<vmem>>) target_semaphore(%run_scoped3A : memref<!tpu.dma_semaphore, #tpu.memory_space<semaphore_mem>>)
      %dma_wait3A_77 = arith.constant 0 : i32
      %dma_wait3A_78 = tpu.memref_slice %arg2[%shift_right_arithmetic3A_30, %and3A_28, %and3A_32, %dma_wait3A_77] : memref<25x8x8x128xi32, #tpu.memory_space<hbm>> -> memref<1x1x1x128xi32, #tpu.memory_space<hbm>>
      %dma_wait3A_79 = tpu.memref_squeeze %dma_wait3A_78 : memref<1x1x1x128xi32, #tpu.memory_space<hbm>> -> memref<128xi32, #tpu.memory_space<hbm>>
      %dma_wait3A_80 = arith.constant 0 : i32
      %dma_wait3A_81 = tpu.memref_slice %arg2[%shift_right_arithmetic3A_30, %and3A_28, %and3A_32, %dma_wait3A_80] : memref<25x8x8x128xi32, #tpu.memory_space<hbm>> -> memref<1x1x1x128xi32, #tpu.memory_space<hbm>>
      %dma_wait3A_82 = tpu.memref_squeeze %dma_wait3A_81 : memref<1x1x1x128xi32, #tpu.memory_space<hbm>> -> memref<128xi32, #tpu.memory_space<hbm>>
      tpu.wait_dma2 semaphore(%run_scoped3A : memref<!tpu.dma_semaphore, #tpu.memory_space<semaphore_mem>>) src(%dma_wait3A_82 : memref<128xi32, #tpu.memory_space<hbm>>) dst(%arg6 : memref<128xi32, #tpu.memory_space<vmem>>)
      tpu.yield
    }) : () -> ()
    %dma_start3A = arith.constant 0 : i32
    %dma_start3A_33 = arith.constant 0 : i32
    %dma_start3A_34 = tpu.memref_slice %arg3[%dma_start3A, %dma_start3A_33] : memref<100000x64xf32, #tpu.memory_space<hbm>> -> memref<100000x64xf32, #tpu.memory_space<hbm>>
    tpu.enqueue_indirect_dma source(%dma_start3A_34 : memref<100000x64xf32, #tpu.memory_space<hbm>>) target(%arg8 : memref<128x64xf32, #tpu.memory_space<vmem>>) offsets(%arg6 : memref<128xi32, #tpu.memory_space<vmem>>) semaphore(%arg15 : memref<!tpu.dma_semaphore, #tpu.memory_space<semaphore_mem>>)
    %scan3A = arith.constant 0 : i32
    %scan3A_35 = arith.constant 0 : i32
    %scan3A_36 = arith.constant 50 : i32
    %scan3A_37 = arith.addi %scan3A_35, %scan3A_36 : i32
    %scan3A_38 = arith.constant 1 : i32
    scf.for %scan3A_71 = %scan3A_35 to %scan3A_37 step %scan3A_38  : i32 {
      %and3A_72 = arith.constant 1 : i32
      %and3A_73 = arith.andi %scan3A_71, %and3A_72 : i32
      %eq3A = arith.constant 0 : i32
      %eq3A_74 = arith.cmpi eq, %and3A_73, %eq3A : i32
      %convert_element_type3A = arith.extui %eq3A_74 : i1 to i32
      %cond3A = arith.constant 0 : i32
      %cond3A_75 = arith.cmpi ne, %convert_element_type3A, %cond3A : i32
      scf.if %cond3A_75 {
        %add3A_83 = arith.addi %mul3A_2, %scan3A_71 : i32
        %shift_right_arithmetic3A_84 = arith.constant 3 : i32
        %shift_right_arithmetic3A_85 = arith.shrsi %add3A_83, %shift_right_arithmetic3A_84 : i32
        %and3A_86 = arith.constant 7 : i32
        %and3A_87 = arith.andi %add3A_83, %and3A_86 : i32
        %lt3A = arith.constant 49 : i32
        %lt3A_88 = arith.cmpi slt, %scan3A_71, %lt3A : i32
        %convert_element_type3A_89 = arith.extui %lt3A_88 : i1 to i32
        %cond3A_90 = arith.constant 0 : i32
        %cond3A_91 = arith.cmpi ne, %convert_element_type3A_89, %cond3A_90 : i32
        scf.if %cond3A_91 {
          %add3A_125 = arith.constant 1 : i32
          %add3A_126 = arith.addi %add3A_83, %add3A_125 : i32
          %shift_right_arithmetic3A_127 = arith.constant 3 : i32
          %shift_right_arithmetic3A_128 = arith.shrsi %add3A_126, %shift_right_arithmetic3A_127 : i32
          %and3A_129 = arith.constant 7 : i32
          %and3A_130 = arith.andi %add3A_126, %and3A_129 : i32
          %shift_right_arithmetic3A_131 = arith.constant 3 : i32
          %shift_right_arithmetic3A_132 = arith.shrsi %shift_right_arithmetic3A_128, %shift_right_arithmetic3A_131 : i32
          %and3A_133 = arith.constant 7 : i32
          %and3A_134 = arith.andi %shift_right_arithmetic3A_128, %and3A_133 : i32
          "tpu.region"() ({
            %run_scoped3A = tpu.sem_alloc : memref<!tpu.dma_semaphore, #tpu.memory_space<semaphore_mem>>
            %dma_start3A_138 = arith.constant 0 : i32
            %dma_start3A_139 = tpu.memref_slice %arg2[%shift_right_arithmetic3A_132, %and3A_130, %and3A_134, %dma_start3A_138] : memref<25x8x8x128xi32, #tpu.memory_space<hbm>> -> memref<1x1x1x128xi32, #tpu.memory_space<hbm>>
            %dma_start3A_140 = tpu.memref_squeeze %dma_start3A_139 : memref<1x1x1x128xi32, #tpu.memory_space<hbm>> -> memref<128xi32, #tpu.memory_space<hbm>>
            %dma_start3A_141 = arith.constant 0 : i32
            %dma_start3A_142 = tpu.memref_slice %arg2[%shift_right_arithmetic3A_132, %and3A_130, %and3A_134, %dma_start3A_141] : memref<25x8x8x128xi32, #tpu.memory_space<hbm>> -> memref<1x1x1x128xi32, #tpu.memory_space<hbm>>
            %dma_start3A_143 = tpu.memref_squeeze %dma_start3A_142 : memref<1x1x1x128xi32, #tpu.memory_space<hbm>> -> memref<128xi32, #tpu.memory_space<hbm>>
            tpu.enqueue_dma source(%dma_start3A_143 : memref<128xi32, #tpu.memory_space<hbm>>) target(%arg7 : memref<128xi32, #tpu.memory_space<vmem>>) target_semaphore(%run_scoped3A : memref<!tpu.dma_semaphore, #tpu.memory_space<semaphore_mem>>)
            %dma_wait3A_144 = arith.constant 0 : i32
            %dma_wait3A_145 = tpu.memref_slice %arg2[%shift_right_arithmetic3A_132, %and3A_130, %and3A_134, %dma_wait3A_144] : memref<25x8x8x128xi32, #tpu.memory_space<hbm>> -> memref<1x1x1x128xi32, #tpu.memory_space<hbm>>
            %dma_wait3A_146 = tpu.memref_squeeze %dma_wait3A_145 : memref<1x1x1x128xi32, #tpu.memory_space<hbm>> -> memref<128xi32, #tpu.memory_space<hbm>>
            %dma_wait3A_147 = arith.constant 0 : i32
            %dma_wait3A_148 = tpu.memref_slice %arg2[%shift_right_arithmetic3A_132, %and3A_130, %and3A_134, %dma_wait3A_147] : memref<25x8x8x128xi32, #tpu.memory_space<hbm>> -> memref<1x1x1x128xi32, #tpu.memory_space<hbm>>
            %dma_wait3A_149 = tpu.memref_squeeze %dma_wait3A_148 : memref<1x1x1x128xi32, #tpu.memory_space<hbm>> -> memref<128xi32, #tpu.memory_space<hbm>>
            tpu.wait_dma2 semaphore(%run_scoped3A : memref<!tpu.dma_semaphore, #tpu.memory_space<semaphore_mem>>) src(%dma_wait3A_149 : memref<128xi32, #tpu.memory_space<hbm>>) dst(%arg7 : memref<128xi32, #tpu.memory_space<vmem>>)
            tpu.yield
          }) : () -> ()
          %dma_start3A_135 = arith.constant 0 : i32
          %dma_start3A_136 = arith.constant 0 : i32
          %dma_start3A_137 = tpu.memref_slice %arg3[%dma_start3A_135, %dma_start3A_136] : memref<100000x64xf32, #tpu.memory_space<hbm>> -> memref<100000x64xf32, #tpu.memory_space<hbm>>
          tpu.enqueue_indirect_dma source(%dma_start3A_137 : memref<100000x64xf32, #tpu.memory_space<hbm>>) target(%arg9 : memref<128x64xf32, #tpu.memory_space<vmem>>) offsets(%arg7 : memref<128xi32, #tpu.memory_space<vmem>>) semaphore(%arg16 : memref<!tpu.dma_semaphore, #tpu.memory_space<semaphore_mem>>)
        } else {
        }
        %dma_wait3A_92 = arith.constant 0 : i32
        %dma_wait3A_93 = arith.constant 0 : i32
        %dma_wait3A_94 = tpu.memref_slice %arg3[%dma_wait3A_92, %dma_wait3A_93] : memref<100000x64xf32, #tpu.memory_space<hbm>> -> memref<100000x64xf32, #tpu.memory_space<hbm>>
        tpu.wait_indirect_dma semaphore(%arg15 : memref<!tpu.dma_semaphore, #tpu.memory_space<semaphore_mem>>) src(%dma_wait3A_94 : memref<100000x64xf32, #tpu.memory_space<hbm>>) dst(%arg8 : memref<128x64xf32, #tpu.memory_space<vmem>>)
        %ge3A = arith.constant 2 : i32
        %ge3A_95 = arith.cmpi sge, %scan3A_71, %ge3A : i32
        %convert_element_type3A_96 = arith.extui %ge3A_95 : i1 to i32
        %cond3A_97 = arith.constant 0 : i32
        %cond3A_98 = arith.cmpi ne, %convert_element_type3A_96, %cond3A_97 : i32
        scf.if %cond3A_98 {
          %dma_wait3A_125 = arith.constant 0 : i32
          %dma_wait3A_126 = arith.constant 0 : i32
          %dma_wait3A_127 = arith.constant 0 : i32
          %dma_wait3A_128 = tpu.memref_slice %arg5[%shift_right_arithmetic3A_85, %dma_wait3A_125, %and3A_87, %dma_wait3A_126, %dma_wait3A_127] : memref<200x8x8x8x128xf32, #tpu.memory_space<hbm>> -> memref<1x8x1x8x128xf32, #tpu.memory_space<hbm>>
          %dma_wait3A_129 = tpu.memref_squeeze %dma_wait3A_128 : memref<1x8x1x8x128xf32, #tpu.memory_space<hbm>> -> memref<8x8x128xf32, #tpu.memory_space<hbm>>
          %dma_wait3A_130 = arith.constant 0 : i32
          %dma_wait3A_131 = arith.constant 0 : i32
          %dma_wait3A_132 = arith.constant 0 : i32
          %dma_wait3A_133 = tpu.memref_slice %arg5[%shift_right_arithmetic3A_85, %dma_wait3A_130, %and3A_87, %dma_wait3A_131, %dma_wait3A_132] : memref<200x8x8x8x128xf32, #tpu.memory_space<hbm>> -> memref<1x8x1x8x128xf32, #tpu.memory_space<hbm>>
          %dma_wait3A_134 = tpu.memref_squeeze %dma_wait3A_133 : memref<1x8x1x8x128xf32, #tpu.memory_space<hbm>> -> memref<8x8x128xf32, #tpu.memory_space<hbm>>
          tpu.wait_dma2 semaphore(%arg17 : memref<!tpu.dma_semaphore, #tpu.memory_space<semaphore_mem>>) src(%arg12 : memref<8x8x128xf32, #tpu.memory_space<vmem>>) dst(%dma_wait3A_134 : memref<8x8x128xf32, #tpu.memory_space<hbm>>)
        } else {
        }
        %get3A = arith.index_cast %shift_right_arithmetic3A_85 : i32 to index
        %get3A_99 = arith.constant 0 : index
        %get3A_100 = tpu.vector_load %arg14[%get3A, %get3A_99] {strides = array<i32>} : memref<200x64xf32, #tpu.memory_space<vmem>>, vector<16xf32>,
        %get3A_101 = arith.index_cast %shift_right_arithmetic3A_85 : i32 to index
        %get3A_102 = arith.constant 16 : index
        %get3A_103 = tpu.vector_load %arg14[%get3A_101, %get3A_102] {strides = array<i32>} : memref<200x64xf32, #tpu.memory_space<vmem>>, vector<16xf32>,
        %get3A_104 = arith.index_cast %shift_right_arithmetic3A_85 : i32 to index
        %get3A_105 = arith.constant 32 : index
        %get3A_106 = tpu.vector_load %arg14[%get3A_104, %get3A_105] {strides = array<i32>} : memref<200x64xf32, #tpu.memory_space<vmem>>, vector<16xf32>,
        %get3A_107 = arith.index_cast %shift_right_arithmetic3A_85 : i32 to index
        %get3A_108 = arith.constant 48 : index
        %get3A_109 = tpu.vector_load %arg14[%get3A_107, %get3A_108] {strides = array<i32>} : memref<200x64xf32, #tpu.memory_space<vmem>>, vector<16xf32>,
        %parallel_loop3A = arith.constant 0 : i32
        %parallel_loop3A_110 = arith.constant 128 : i32
        %parallel_loop3A_111 = arith.constant 1 : i32
        scf.for %parallel_loop3A_125 = %parallel_loop3A to %parallel_loop3A_110 step %parallel_loop3A_111  : i32 {
          %parallel_loop3A_126 = arith.index_cast %parallel_loop3A_125 : i32 to index
          %parallel_loop3A_127 = arith.constant 0 : index
          %parallel_loop3A_128 = tpu.vector_load %arg8[%parallel_loop3A_126, %parallel_loop3A_127] {strides = array<i32>} : memref<128x64xf32, #tpu.memory_space<vmem>>, vector<16xf32>,
          %parallel_loop3A_129 = arith.constant 8.000000e+00 : f32
          %parallel_loop3A_130 = vector.broadcast %parallel_loop3A_129 : f32 to vector<16xf32>
          %parallel_loop3A_131 = arith.mulf %parallel_loop3A_128, %parallel_loop3A_130 : vector<16xf32>
          %parallel_loop3A_132 = arith.addf %parallel_loop3A_131, %get3A_100 : vector<16xf32>
          %parallel_loop3A_133 = arith.index_cast %parallel_loop3A_125 : i32 to index
          %parallel_loop3A_134 = arith.constant 0 : index
          %parallel_loop3A_135 = tpu.vector_load %arg10[%parallel_loop3A_133, %parallel_loop3A_134] {strides = array<i32>} : memref<128x80xf32, #tpu.memory_space<vmem>>, vector<16xf32>,
          tpu.vector_store %arg10[%parallel_loop3A_133, %parallel_loop3A_134], %parallel_loop3A_132 {strides = array<i32>} : memref<128x80xf32, #tpu.memory_space<vmem>>, vector<16xf32>,
          %parallel_loop3A_136 = arith.index_cast %parallel_loop3A_125 : i32 to index
          %parallel_loop3A_137 = arith.constant 16 : index
          %parallel_loop3A_138 = tpu.vector_load %arg8[%parallel_loop3A_136, %parallel_loop3A_137] {strides = array<i32>} : memref<128x64xf32, #tpu.memory_space<vmem>>, vector<16xf32>,
          %parallel_loop3A_139 = arith.constant 8.000000e+00 : f32
          %parallel_loop3A_140 = vector.broadcast %parallel_loop3A_139 : f32 to vector<16xf32>
          %parallel_loop3A_141 = arith.mulf %parallel_loop3A_138, %parallel_loop3A_140 : vector<16xf32>
          %parallel_loop3A_142 = arith.addf %parallel_loop3A_141, %get3A_103 : vector<16xf32>
          %parallel_loop3A_143 = arith.index_cast %parallel_loop3A_125 : i32 to index
          %parallel_loop3A_144 = arith.constant 16 : index
          %parallel_loop3A_145 = tpu.vector_load %arg10[%parallel_loop3A_143, %parallel_loop3A_144] {strides = array<i32>} : memref<128x80xf32, #tpu.memory_space<vmem>>, vector<16xf32>,
          tpu.vector_store %arg10[%parallel_loop3A_143, %parallel_loop3A_144], %parallel_loop3A_142 {strides = array<i32>} : memref<128x80xf32, #tpu.memory_space<vmem>>, vector<16xf32>,
          %parallel_loop3A_146 = arith.index_cast %parallel_loop3A_125 : i32 to index
          %parallel_loop3A_147 = arith.constant 32 : index
          %parallel_loop3A_148 = tpu.vector_load %arg8[%parallel_loop3A_146, %parallel_loop3A_147] {strides = array<i32>} : memref<128x64xf32, #tpu.memory_space<vmem>>, vector<16xf32>,
          %parallel_loop3A_149 = arith.constant 8.000000e+00 : f32
          %parallel_loop3A_150 = vector.broadcast %parallel_loop3A_149 : f32 to vector<16xf32>
          %parallel_loop3A_151 = arith.mulf %parallel_loop3A_148, %parallel_loop3A_150 : vector<16xf32>
          %parallel_loop3A_152 = arith.addf %parallel_loop3A_151, %get3A_106 : vector<16xf32>
          %parallel_loop3A_153 = arith.index_cast %parallel_loop3A_125 : i32 to index
          %parallel_loop3A_154 = arith.constant 32 : index
          %parallel_loop3A_155 = tpu.vector_load %arg10[%parallel_loop3A_153, %parallel_loop3A_154] {strides = array<i32>} : memref<128x80xf32, #tpu.memory_space<vmem>>, vector<16xf32>,
          tpu.vector_store %arg10[%parallel_loop3A_153, %parallel_loop3A_154], %parallel_loop3A_152 {strides = array<i32>} : memref<128x80xf32, #tpu.memory_space<vmem>>, vector<16xf32>,
          %parallel_loop3A_156 = arith.index_cast %parallel_loop3A_125 : i32 to index
          %parallel_loop3A_157 = arith.constant 48 : index
          %parallel_loop3A_158 = tpu.vector_load %arg8[%parallel_loop3A_156, %parallel_loop3A_157] {strides = array<i32>} : memref<128x64xf32, #tpu.memory_space<vmem>>, vector<16xf32>,
          %parallel_loop3A_159 = arith.constant 8.000000e+00 : f32
          %parallel_loop3A_160 = vector.broadcast %parallel_loop3A_159 : f32 to vector<16xf32>
          %parallel_loop3A_161 = arith.mulf %parallel_loop3A_158, %parallel_loop3A_160 : vector<16xf32>
          %parallel_loop3A_162 = arith.addf %parallel_loop3A_161, %get3A_109 : vector<16xf32>
          %parallel_loop3A_163 = arith.index_cast %parallel_loop3A_125 : i32 to index
          %parallel_loop3A_164 = arith.constant 48 : index
          %parallel_loop3A_165 = tpu.vector_load %arg10[%parallel_loop3A_163, %parallel_loop3A_164] {strides = array<i32>} : memref<128x80xf32, #tpu.memory_space<vmem>>, vector<16xf32>,
          tpu.vector_store %arg10[%parallel_loop3A_163, %parallel_loop3A_164], %parallel_loop3A_162 {strides = array<i32>} : memref<128x80xf32, #tpu.memory_space<vmem>>, vector<16xf32>,
        } {sc.loop_unroll_factor = 8 : i64, sc.parallel_access}
        %parallel_loop3A_112 = arith.constant 0 : i32
        %parallel_loop3A_113 = arith.constant 64 : i32
        %parallel_loop3A_114 = arith.constant 1 : i32
        scf.for %parallel_loop3A_125 = %parallel_loop3A_112 to %parallel_loop3A_113 step %parallel_loop3A_114  : i32 {
          %parallel_loop3A_126 = vector.broadcast %parallel_loop3A_125 : i32 to vector<16xi32>
          %parallel_loop3A_127 = arith.constant 3 : i32
          %parallel_loop3A_128 = arith.shrsi %parallel_loop3A_125, %parallel_loop3A_127 : i32
          %parallel_loop3A_129 = arith.constant 7 : i32
          %parallel_loop3A_130 = arith.andi %parallel_loop3A_125, %parallel_loop3A_129 : i32
          %parallel_loop3A_131 = tpu.vector_load_idx %arg10[%add3A_5, %parallel_loop3A_126] : memref<128x80xf32, #tpu.memory_space<vmem>>[vector<16xi32>, vector<16xi32>], vector<16xf32>,
          %parallel_loop3A_132 = arith.index_cast %parallel_loop3A_128 : i32 to index
          %parallel_loop3A_133 = arith.index_cast %parallel_loop3A_130 : i32 to index
          %parallel_loop3A_134 = arith.constant 0 : index
          %parallel_loop3A_135 = tpu.vector_load %arg12[%parallel_loop3A_132, %parallel_loop3A_133, %parallel_loop3A_134] {strides = array<i32>} : memref<8x8x128xf32, #tpu.memory_space<vmem>>, vector<16xf32>,
          tpu.vector_store %arg12[%parallel_loop3A_132, %parallel_loop3A_133, %parallel_loop3A_134], %parallel_loop3A_131 {strides = array<i32>} : memref<8x8x128xf32, #tpu.memory_space<vmem>>, vector<16xf32>,
          %parallel_loop3A_136 = tpu.vector_load_idx %arg10[%add3A_8, %parallel_loop3A_126] : memref<128x80xf32, #tpu.memory_space<vmem>>[vector<16xi32>, vector<16xi32>], vector<16xf32>,
          %parallel_loop3A_137 = arith.index_cast %parallel_loop3A_128 : i32 to index
          %parallel_loop3A_138 = arith.index_cast %parallel_loop3A_130 : i32 to index
          %parallel_loop3A_139 = arith.constant 16 : index
          %parallel_loop3A_140 = tpu.vector_load %arg12[%parallel_loop3A_137, %parallel_loop3A_138, %parallel_loop3A_139] {strides = array<i32>} : memref<8x8x128xf32, #tpu.memory_space<vmem>>, vector<16xf32>,
          tpu.vector_store %arg12[%parallel_loop3A_137, %parallel_loop3A_138, %parallel_loop3A_139], %parallel_loop3A_136 {strides = array<i32>} : memref<8x8x128xf32, #tpu.memory_space<vmem>>, vector<16xf32>,
          %parallel_loop3A_141 = tpu.vector_load_idx %arg10[%add3A_11, %parallel_loop3A_126] : memref<128x80xf32, #tpu.memory_space<vmem>>[vector<16xi32>, vector<16xi32>], vector<16xf32>,
          %parallel_loop3A_142 = arith.index_cast %parallel_loop3A_128 : i32 to index
          %parallel_loop3A_143 = arith.index_cast %parallel_loop3A_130 : i32 to index
          %parallel_loop3A_144 = arith.constant 32 : index
          %parallel_loop3A_145 = tpu.vector_load %arg12[%parallel_loop3A_142, %parallel_loop3A_143, %parallel_loop3A_144] {strides = array<i32>} : memref<8x8x128xf32, #tpu.memory_space<vmem>>, vector<16xf32>,
          tpu.vector_store %arg12[%parallel_loop3A_142, %parallel_loop3A_143, %parallel_loop3A_144], %parallel_loop3A_141 {strides = array<i32>} : memref<8x8x128xf32, #tpu.memory_space<vmem>>, vector<16xf32>,
          %parallel_loop3A_146 = tpu.vector_load_idx %arg10[%add3A_14, %parallel_loop3A_126] : memref<128x80xf32, #tpu.memory_space<vmem>>[vector<16xi32>, vector<16xi32>], vector<16xf32>,
          %parallel_loop3A_147 = arith.index_cast %parallel_loop3A_128 : i32 to index
          %parallel_loop3A_148 = arith.index_cast %parallel_loop3A_130 : i32 to index
          %parallel_loop3A_149 = arith.constant 48 : index
          %parallel_loop3A_150 = tpu.vector_load %arg12[%parallel_loop3A_147, %parallel_loop3A_148, %parallel_loop3A_149] {strides = array<i32>} : memref<8x8x128xf32, #tpu.memory_space<vmem>>, vector<16xf32>,
          tpu.vector_store %arg12[%parallel_loop3A_147, %parallel_loop3A_148, %parallel_loop3A_149], %parallel_loop3A_146 {strides = array<i32>} : memref<8x8x128xf32, #tpu.memory_space<vmem>>, vector<16xf32>,
          %parallel_loop3A_151 = tpu.vector_load_idx %arg10[%add3A_17, %parallel_loop3A_126] : memref<128x80xf32, #tpu.memory_space<vmem>>[vector<16xi32>, vector<16xi32>], vector<16xf32>,
          %parallel_loop3A_152 = arith.index_cast %parallel_loop3A_128 : i32 to index
          %parallel_loop3A_153 = arith.index_cast %parallel_loop3A_130 : i32 to index
          %parallel_loop3A_154 = arith.constant 64 : index
          %parallel_loop3A_155 = tpu.vector_load %arg12[%parallel_loop3A_152, %parallel_loop3A_153, %parallel_loop3A_154] {strides = array<i32>} : memref<8x8x128xf32, #tpu.memory_space<vmem>>, vector<16xf32>,
          tpu.vector_store %arg12[%parallel_loop3A_152, %parallel_loop3A_153, %parallel_loop3A_154], %parallel_loop3A_151 {strides = array<i32>} : memref<8x8x128xf32, #tpu.memory_space<vmem>>, vector<16xf32>,
          %parallel_loop3A_156 = tpu.vector_load_idx %arg10[%add3A_20, %parallel_loop3A_126] : memref<128x80xf32, #tpu.memory_space<vmem>>[vector<16xi32>, vector<16xi32>], vector<16xf32>,
          %parallel_loop3A_157 = arith.index_cast %parallel_loop3A_128 : i32 to index
          %parallel_loop3A_158 = arith.index_cast %parallel_loop3A_130 : i32 to index
          %parallel_loop3A_159 = arith.constant 80 : index
          %parallel_loop3A_160 = tpu.vector_load %arg12[%parallel_loop3A_157, %parallel_loop3A_158, %parallel_loop3A_159] {strides = array<i32>} : memref<8x8x128xf32, #tpu.memory_space<vmem>>, vector<16xf32>,
          tpu.vector_store %arg12[%parallel_loop3A_157, %parallel_loop3A_158, %parallel_loop3A_159], %parallel_loop3A_156 {strides = array<i32>} : memref<8x8x128xf32, #tpu.memory_space<vmem>>, vector<16xf32>,
          %parallel_loop3A_161 = tpu.vector_load_idx %arg10[%add3A_23, %parallel_loop3A_126] : memref<128x80xf32, #tpu.memory_space<vmem>>[vector<16xi32>, vector<16xi32>], vector<16xf32>,
          %parallel_loop3A_162 = arith.index_cast %parallel_loop3A_128 : i32 to index
          %parallel_loop3A_163 = arith.index_cast %parallel_loop3A_130 : i32 to index
          %parallel_loop3A_164 = arith.constant 96 : index
          %parallel_loop3A_165 = tpu.vector_load %arg12[%parallel_loop3A_162, %parallel_loop3A_163, %parallel_loop3A_164] {strides = array<i32>} : memref<8x8x128xf32, #tpu.memory_space<vmem>>, vector<16xf32>,
          tpu.vector_store %arg12[%parallel_loop3A_162, %parallel_loop3A_163, %parallel_loop3A_164], %parallel_loop3A_161 {strides = array<i32>} : memref<8x8x128xf32, #tpu.memory_space<vmem>>, vector<16xf32>,
          %parallel_loop3A_166 = tpu.vector_load_idx %arg10[%add3A_26, %parallel_loop3A_126] : memref<128x80xf32, #tpu.memory_space<vmem>>[vector<16xi32>, vector<16xi32>], vector<16xf32>,
          %parallel_loop3A_167 = arith.index_cast %parallel_loop3A_128 : i32 to index
          %parallel_loop3A_168 = arith.index_cast %parallel_loop3A_130 : i32 to index
          %parallel_loop3A_169 = arith.constant 112 : index
          %parallel_loop3A_170 = tpu.vector_load %arg12[%parallel_loop3A_167, %parallel_loop3A_168, %parallel_loop3A_169] {strides = array<i32>} : memref<8x8x128xf32, #tpu.memory_space<vmem>>, vector<16xf32>,
          tpu.vector_store %arg12[%parallel_loop3A_167, %parallel_loop3A_168, %parallel_loop3A_169], %parallel_loop3A_166 {strides = array<i32>} : memref<8x8x128xf32, #tpu.memory_space<vmem>>, vector<16xf32>,
        } {sc.loop_unroll_factor = 4 : i64, sc.parallel_access}
        %dma_start3A_115 = arith.constant 0 : i32
        %dma_start3A_116 = arith.constant 0 : i32
        %dma_start3A_117 = arith.constant 0 : i32
        %dma_start3A_118 = tpu.memref_slice %arg5[%shift_right_arithmetic3A_85, %dma_start3A_115, %and3A_87, %dma_start3A_116, %dma_start3A_117] : memref<200x8x8x8x128xf32, #tpu.memory_space<hbm>> -> memref<1x8x1x8x128xf32, #tpu.memory_space<hbm>>
        %dma_start3A_119 = tpu.memref_squeeze %dma_start3A_118 : memref<1x8x1x8x128xf32, #tpu.memory_space<hbm>> -> memref<8x8x128xf32, #tpu.memory_space<hbm>>
        %dma_start3A_120 = arith.constant 0 : i32
        %dma_start3A_121 = arith.constant 0 : i32
        %dma_start3A_122 = arith.constant 0 : i32
        %dma_start3A_123 = tpu.memref_slice %arg5[%shift_right_arithmetic3A_85, %dma_start3A_120, %and3A_87, %dma_start3A_121, %dma_start3A_122] : memref<200x8x8x8x128xf32, #tpu.memory_space<hbm>> -> memref<1x8x1x8x128xf32, #tpu.memory_space<hbm>>
        %dma_start3A_124 = tpu.memref_squeeze %dma_start3A_123 : memref<1x8x1x8x128xf32, #tpu.memory_space<hbm>> -> memref<8x8x128xf32, #tpu.memory_space<hbm>>
        tpu.enqueue_dma source(%arg12 : memref<8x8x128xf32, #tpu.memory_space<vmem>>) target(%dma_start3A_124 : memref<8x8x128xf32, #tpu.memory_space<hbm>>) target_semaphore(%arg17 : memref<!tpu.dma_semaphore, #tpu.memory_space<semaphore_mem>>)
      } else {
      }
      %and3A_76 = arith.constant 1 : i32
      %and3A_77 = arith.andi %scan3A_71, %and3A_76 : i32
      %eq3A_78 = arith.constant 1 : i32
      %eq3A_79 = arith.cmpi eq, %and3A_77, %eq3A_78 : i32
      %convert_element_type3A_80 = arith.extui %eq3A_79 : i1 to i32
      %cond3A_81 = arith.constant 0 : i32
      %cond3A_82 = arith.cmpi ne, %convert_element_type3A_80, %cond3A_81 : i32
      scf.if %cond3A_82 {
        %add3A_83 = arith.addi %mul3A_2, %scan3A_71 : i32
        %shift_right_arithmetic3A_84 = arith.constant 3 : i32
        %shift_right_arithmetic3A_85 = arith.shrsi %add3A_83, %shift_right_arithmetic3A_84 : i32
        %and3A_86 = arith.constant 7 : i32
        %and3A_87 = arith.andi %add3A_83, %and3A_86 : i32
        %lt3A = arith.constant 49 : i32
        %lt3A_88 = arith.cmpi slt, %scan3A_71, %lt3A : i32
        %convert_element_type3A_89 = arith.extui %lt3A_88 : i1 to i32
        %cond3A_90 = arith.constant 0 : i32
        %cond3A_91 = arith.cmpi ne, %convert_element_type3A_89, %cond3A_90 : i32
        scf.if %cond3A_91 {
          %add3A_125 = arith.constant 1 : i32
          %add3A_126 = arith.addi %add3A_83, %add3A_125 : i32
          %shift_right_arithmetic3A_127 = arith.constant 3 : i32
          %shift_right_arithmetic3A_128 = arith.shrsi %add3A_126, %shift_right_arithmetic3A_127 : i32
          %and3A_129 = arith.constant 7 : i32
          %and3A_130 = arith.andi %add3A_126, %and3A_129 : i32
          %shift_right_arithmetic3A_131 = arith.constant 3 : i32
          %shift_right_arithmetic3A_132 = arith.shrsi %shift_right_arithmetic3A_128, %shift_right_arithmetic3A_131 : i32
          %and3A_133 = arith.constant 7 : i32
          %and3A_134 = arith.andi %shift_right_arithmetic3A_128, %and3A_133 : i32
          "tpu.region"() ({
            %run_scoped3A = tpu.sem_alloc : memref<!tpu.dma_semaphore, #tpu.memory_space<semaphore_mem>>
            %dma_start3A_138 = arith.constant 0 : i32
            %dma_start3A_139 = tpu.memref_slice %arg2[%shift_right_arithmetic3A_132, %and3A_130, %and3A_134, %dma_start3A_138] : memref<25x8x8x128xi32, #tpu.memory_space<hbm>> -> memref<1x1x1x128xi32, #tpu.memory_space<hbm>>
            %dma_start3A_140 = tpu.memref_squeeze %dma_start3A_139 : memref<1x1x1x128xi32, #tpu.memory_space<hbm>> -> memref<128xi32, #tpu.memory_space<hbm>>
            %dma_start3A_141 = arith.constant 0 : i32
            %dma_start3A_142 = tpu.memref_slice %arg2[%shift_right_arithmetic3A_132, %and3A_130, %and3A_134, %dma_start3A_141] : memref<25x8x8x128xi32, #tpu.memory_space<hbm>> -> memref<1x1x1x128xi32, #tpu.memory_space<hbm>>
            %dma_start3A_143 = tpu.memref_squeeze %dma_start3A_142 : memref<1x1x1x128xi32, #tpu.memory_space<hbm>> -> memref<128xi32, #tpu.memory_space<hbm>>
            tpu.enqueue_dma source(%dma_start3A_143 : memref<128xi32, #tpu.memory_space<hbm>>) target(%arg6 : memref<128xi32, #tpu.memory_space<vmem>>) target_semaphore(%run_scoped3A : memref<!tpu.dma_semaphore, #tpu.memory_space<semaphore_mem>>)
            %dma_wait3A_144 = arith.constant 0 : i32
            %dma_wait3A_145 = tpu.memref_slice %arg2[%shift_right_arithmetic3A_132, %and3A_130, %and3A_134, %dma_wait3A_144] : memref<25x8x8x128xi32, #tpu.memory_space<hbm>> -> memref<1x1x1x128xi32, #tpu.memory_space<hbm>>
            %dma_wait3A_146 = tpu.memref_squeeze %dma_wait3A_145 : memref<1x1x1x128xi32, #tpu.memory_space<hbm>> -> memref<128xi32, #tpu.memory_space<hbm>>
            %dma_wait3A_147 = arith.constant 0 : i32
            %dma_wait3A_148 = tpu.memref_slice %arg2[%shift_right_arithmetic3A_132, %and3A_130, %and3A_134, %dma_wait3A_147] : memref<25x8x8x128xi32, #tpu.memory_space<hbm>> -> memref<1x1x1x128xi32, #tpu.memory_space<hbm>>
            %dma_wait3A_149 = tpu.memref_squeeze %dma_wait3A_148 : memref<1x1x1x128xi32, #tpu.memory_space<hbm>> -> memref<128xi32, #tpu.memory_space<hbm>>
            tpu.wait_dma2 semaphore(%run_scoped3A : memref<!tpu.dma_semaphore, #tpu.memory_space<semaphore_mem>>) src(%dma_wait3A_149 : memref<128xi32, #tpu.memory_space<hbm>>) dst(%arg6 : memref<128xi32, #tpu.memory_space<vmem>>)
            tpu.yield
          }) : () -> ()
          %dma_start3A_135 = arith.constant 0 : i32
          %dma_start3A_136 = arith.constant 0 : i32
          %dma_start3A_137 = tpu.memref_slice %arg3[%dma_start3A_135, %dma_start3A_136] : memref<100000x64xf32, #tpu.memory_space<hbm>> -> memref<100000x64xf32, #tpu.memory_space<hbm>>
          tpu.enqueue_indirect_dma source(%dma_start3A_137 : memref<100000x64xf32, #tpu.memory_space<hbm>>) target(%arg8 : memref<128x64xf32, #tpu.memory_space<vmem>>) offsets(%arg6 : memref<128xi32, #tpu.memory_space<vmem>>) semaphore(%arg15 : memref<!tpu.dma_semaphore, #tpu.memory_space<semaphore_mem>>)
        } else {
        }
        %dma_wait3A_92 = arith.constant 0 : i32
        %dma_wait3A_93 = arith.constant 0 : i32
        %dma_wait3A_94 = tpu.memref_slice %arg3[%dma_wait3A_92, %dma_wait3A_93] : memref<100000x64xf32, #tpu.memory_space<hbm>> -> memref<100000x64xf32, #tpu.memory_space<hbm>>
        tpu.wait_indirect_dma semaphore(%arg16 : memref<!tpu.dma_semaphore, #tpu.memory_space<semaphore_mem>>) src(%dma_wait3A_94 : memref<100000x64xf32, #tpu.memory_space<hbm>>) dst(%arg9 : memref<128x64xf32, #tpu.memory_space<vmem>>)
        %ge3A = arith.constant 2 : i32
        %ge3A_95 = arith.cmpi sge, %scan3A_71, %ge3A : i32
        %convert_element_type3A_96 = arith.extui %ge3A_95 : i1 to i32
        %cond3A_97 = arith.constant 0 : i32
        %cond3A_98 = arith.cmpi ne, %convert_element_type3A_96, %cond3A_97 : i32
        scf.if %cond3A_98 {
          %dma_wait3A_125 = arith.constant 0 : i32
          %dma_wait3A_126 = arith.constant 0 : i32
          %dma_wait3A_127 = arith.constant 0 : i32
          %dma_wait3A_128 = tpu.memref_slice %arg5[%shift_right_arithmetic3A_85, %dma_wait3A_125, %and3A_87, %dma_wait3A_126, %dma_wait3A_127] : memref<200x8x8x8x128xf32, #tpu.memory_space<hbm>> -> memref<1x8x1x8x128xf32, #tpu.memory_space<hbm>>
          %dma_wait3A_129 = tpu.memref_squeeze %dma_wait3A_128 : memref<1x8x1x8x128xf32, #tpu.memory_space<hbm>> -> memref<8x8x128xf32, #tpu.memory_space<hbm>>
          %dma_wait3A_130 = arith.constant 0 : i32
          %dma_wait3A_131 = arith.constant 0 : i32
          %dma_wait3A_132 = arith.constant 0 : i32
          %dma_wait3A_133 = tpu.memref_slice %arg5[%shift_right_arithmetic3A_85, %dma_wait3A_130, %and3A_87, %dma_wait3A_131, %dma_wait3A_132] : memref<200x8x8x8x128xf32, #tpu.memory_space<hbm>> -> memref<1x8x1x8x128xf32, #tpu.memory_space<hbm>>
          %dma_wait3A_134 = tpu.memref_squeeze %dma_wait3A_133 : memref<1x8x1x8x128xf32, #tpu.memory_space<hbm>> -> memref<8x8x128xf32, #tpu.memory_space<hbm>>
          tpu.wait_dma2 semaphore(%arg18 : memref<!tpu.dma_semaphore, #tpu.memory_space<semaphore_mem>>) src(%arg13 : memref<8x8x128xf32, #tpu.memory_space<vmem>>) dst(%dma_wait3A_134 : memref<8x8x128xf32, #tpu.memory_space<hbm>>)
        } else {
        }
        %get3A = arith.index_cast %shift_right_arithmetic3A_85 : i32 to index
        %get3A_99 = arith.constant 0 : index
        %get3A_100 = tpu.vector_load %arg14[%get3A, %get3A_99] {strides = array<i32>} : memref<200x64xf32, #tpu.memory_space<vmem>>, vector<16xf32>,
        %get3A_101 = arith.index_cast %shift_right_arithmetic3A_85 : i32 to index
        %get3A_102 = arith.constant 16 : index
        %get3A_103 = tpu.vector_load %arg14[%get3A_101, %get3A_102] {strides = array<i32>} : memref<200x64xf32, #tpu.memory_space<vmem>>, vector<16xf32>,
        %get3A_104 = arith.index_cast %shift_right_arithmetic3A_85 : i32 to index
        %get3A_105 = arith.constant 32 : index
        %get3A_106 = tpu.vector_load %arg14[%get3A_104, %get3A_105] {strides = array<i32>} : memref<200x64xf32, #tpu.memory_space<vmem>>, vector<16xf32>,
        %get3A_107 = arith.index_cast %shift_right_arithmetic3A_85 : i32 to index
        %get3A_108 = arith.constant 48 : index
        %get3A_109 = tpu.vector_load %arg14[%get3A_107, %get3A_108] {strides = array<i32>} : memref<200x64xf32, #tpu.memory_space<vmem>>, vector<16xf32>,
        %parallel_loop3A = arith.constant 0 : i32
        %parallel_loop3A_110 = arith.constant 128 : i32
        %parallel_loop3A_111 = arith.constant 1 : i32
        scf.for %parallel_loop3A_125 = %parallel_loop3A to %parallel_loop3A_110 step %parallel_loop3A_111  : i32 {
          %parallel_loop3A_126 = arith.index_cast %parallel_loop3A_125 : i32 to index
          %parallel_loop3A_127 = arith.constant 0 : index
          %parallel_loop3A_128 = tpu.vector_load %arg9[%parallel_loop3A_126, %parallel_loop3A_127] {strides = array<i32>} : memref<128x64xf32, #tpu.memory_space<vmem>>, vector<16xf32>,
          %parallel_loop3A_129 = arith.constant 8.000000e+00 : f32
          %parallel_loop3A_130 = vector.broadcast %parallel_loop3A_129 : f32 to vector<16xf32>
          %parallel_loop3A_131 = arith.mulf %parallel_loop3A_128, %parallel_loop3A_130 : vector<16xf32>
          %parallel_loop3A_132 = arith.addf %parallel_loop3A_131, %get3A_100 : vector<16xf32>
          %parallel_loop3A_133 = arith.index_cast %parallel_loop3A_125 : i32 to index
          %parallel_loop3A_134 = arith.constant 0 : index
          %parallel_loop3A_135 = tpu.vector_load %arg11[%parallel_loop3A_133, %parallel_loop3A_134] {strides = array<i32>} : memref<128x80xf32, #tpu.memory_space<vmem>>, vector<16xf32>,
          tpu.vector_store %arg11[%parallel_loop3A_133, %parallel_loop3A_134], %parallel_loop3A_132 {strides = array<i32>} : memref<128x80xf32, #tpu.memory_space<vmem>>, vector<16xf32>,
          %parallel_loop3A_136 = arith.index_cast %parallel_loop3A_125 : i32 to index
          %parallel_loop3A_137 = arith.constant 16 : index
          %parallel_loop3A_138 = tpu.vector_load %arg9[%parallel_loop3A_136, %parallel_loop3A_137] {strides = array<i32>} : memref<128x64xf32, #tpu.memory_space<vmem>>, vector<16xf32>,
          %parallel_loop3A_139 = arith.constant 8.000000e+00 : f32
          %parallel_loop3A_140 = vector.broadcast %parallel_loop3A_139 : f32 to vector<16xf32>
          %parallel_loop3A_141 = arith.mulf %parallel_loop3A_138, %parallel_loop3A_140 : vector<16xf32>
          %parallel_loop3A_142 = arith.addf %parallel_loop3A_141, %get3A_103 : vector<16xf32>
          %parallel_loop3A_143 = arith.index_cast %parallel_loop3A_125 : i32 to index
          %parallel_loop3A_144 = arith.constant 16 : index
          %parallel_loop3A_145 = tpu.vector_load %arg11[%parallel_loop3A_143, %parallel_loop3A_144] {strides = array<i32>} : memref<128x80xf32, #tpu.memory_space<vmem>>, vector<16xf32>,
          tpu.vector_store %arg11[%parallel_loop3A_143, %parallel_loop3A_144], %parallel_loop3A_142 {strides = array<i32>} : memref<128x80xf32, #tpu.memory_space<vmem>>, vector<16xf32>,
          %parallel_loop3A_146 = arith.index_cast %parallel_loop3A_125 : i32 to index
          %parallel_loop3A_147 = arith.constant 32 : index
          %parallel_loop3A_148 = tpu.vector_load %arg9[%parallel_loop3A_146, %parallel_loop3A_147] {strides = array<i32>} : memref<128x64xf32, #tpu.memory_space<vmem>>, vector<16xf32>,
          %parallel_loop3A_149 = arith.constant 8.000000e+00 : f32
          %parallel_loop3A_150 = vector.broadcast %parallel_loop3A_149 : f32 to vector<16xf32>
          %parallel_loop3A_151 = arith.mulf %parallel_loop3A_148, %parallel_loop3A_150 : vector<16xf32>
          %parallel_loop3A_152 = arith.addf %parallel_loop3A_151, %get3A_106 : vector<16xf32>
          %parallel_loop3A_153 = arith.index_cast %parallel_loop3A_125 : i32 to index
          %parallel_loop3A_154 = arith.constant 32 : index
          %parallel_loop3A_155 = tpu.vector_load %arg11[%parallel_loop3A_153, %parallel_loop3A_154] {strides = array<i32>} : memref<128x80xf32, #tpu.memory_space<vmem>>, vector<16xf32>,
          tpu.vector_store %arg11[%parallel_loop3A_153, %parallel_loop3A_154], %parallel_loop3A_152 {strides = array<i32>} : memref<128x80xf32, #tpu.memory_space<vmem>>, vector<16xf32>,
          %parallel_loop3A_156 = arith.index_cast %parallel_loop3A_125 : i32 to index
          %parallel_loop3A_157 = arith.constant 48 : index
          %parallel_loop3A_158 = tpu.vector_load %arg9[%parallel_loop3A_156, %parallel_loop3A_157] {strides = array<i32>} : memref<128x64xf32, #tpu.memory_space<vmem>>, vector<16xf32>,
          %parallel_loop3A_159 = arith.constant 8.000000e+00 : f32
          %parallel_loop3A_160 = vector.broadcast %parallel_loop3A_159 : f32 to vector<16xf32>
          %parallel_loop3A_161 = arith.mulf %parallel_loop3A_158, %parallel_loop3A_160 : vector<16xf32>
          %parallel_loop3A_162 = arith.addf %parallel_loop3A_161, %get3A_109 : vector<16xf32>
          %parallel_loop3A_163 = arith.index_cast %parallel_loop3A_125 : i32 to index
          %parallel_loop3A_164 = arith.constant 48 : index
          %parallel_loop3A_165 = tpu.vector_load %arg11[%parallel_loop3A_163, %parallel_loop3A_164] {strides = array<i32>} : memref<128x80xf32, #tpu.memory_space<vmem>>, vector<16xf32>,
          tpu.vector_store %arg11[%parallel_loop3A_163, %parallel_loop3A_164], %parallel_loop3A_162 {strides = array<i32>} : memref<128x80xf32, #tpu.memory_space<vmem>>, vector<16xf32>,
        } {sc.loop_unroll_factor = 8 : i64, sc.parallel_access}
        %parallel_loop3A_112 = arith.constant 0 : i32
        %parallel_loop3A_113 = arith.constant 64 : i32
        %parallel_loop3A_114 = arith.constant 1 : i32
        scf.for %parallel_loop3A_125 = %parallel_loop3A_112 to %parallel_loop3A_113 step %parallel_loop3A_114  : i32 {
          %parallel_loop3A_126 = vector.broadcast %parallel_loop3A_125 : i32 to vector<16xi32>
          %parallel_loop3A_127 = arith.constant 3 : i32
          %parallel_loop3A_128 = arith.shrsi %parallel_loop3A_125, %parallel_loop3A_127 : i32
          %parallel_loop3A_129 = arith.constant 7 : i32
          %parallel_loop3A_130 = arith.andi %parallel_loop3A_125, %parallel_loop3A_129 : i32
          %parallel_loop3A_131 = tpu.vector_load_idx %arg11[%add3A_5, %parallel_loop3A_126] : memref<128x80xf32, #tpu.memory_space<vmem>>[vector<16xi32>, vector<16xi32>], vector<16xf32>,
          %parallel_loop3A_132 = arith.index_cast %parallel_loop3A_128 : i32 to index
          %parallel_loop3A_133 = arith.index_cast %parallel_loop3A_130 : i32 to index
          %parallel_loop3A_134 = arith.constant 0 : index
          %parallel_loop3A_135 = tpu.vector_load %arg13[%parallel_loop3A_132, %parallel_loop3A_133, %parallel_loop3A_134] {strides = array<i32>} : memref<8x8x128xf32, #tpu.memory_space<vmem>>, vector<16xf32>,
          tpu.vector_store %arg13[%parallel_loop3A_132, %parallel_loop3A_133, %parallel_loop3A_134], %parallel_loop3A_131 {strides = array<i32>} : memref<8x8x128xf32, #tpu.memory_space<vmem>>, vector<16xf32>,
          %parallel_loop3A_136 = tpu.vector_load_idx %arg11[%add3A_8, %parallel_loop3A_126] : memref<128x80xf32, #tpu.memory_space<vmem>>[vector<16xi32>, vector<16xi32>], vector<16xf32>,
          %parallel_loop3A_137 = arith.index_cast %parallel_loop3A_128 : i32 to index
          %parallel_loop3A_138 = arith.index_cast %parallel_loop3A_130 : i32 to index
          %parallel_loop3A_139 = arith.constant 16 : index
          %parallel_loop3A_140 = tpu.vector_load %arg13[%parallel_loop3A_137, %parallel_loop3A_138, %parallel_loop3A_139] {strides = array<i32>} : memref<8x8x128xf32, #tpu.memory_space<vmem>>, vector<16xf32>,
          tpu.vector_store %arg13[%parallel_loop3A_137, %parallel_loop3A_138, %parallel_loop3A_139], %parallel_loop3A_136 {strides = array<i32>} : memref<8x8x128xf32, #tpu.memory_space<vmem>>, vector<16xf32>,
          %parallel_loop3A_141 = tpu.vector_load_idx %arg11[%add3A_11, %parallel_loop3A_126] : memref<128x80xf32, #tpu.memory_space<vmem>>[vector<16xi32>, vector<16xi32>], vector<16xf32>,
          %parallel_loop3A_142 = arith.index_cast %parallel_loop3A_128 : i32 to index
          %parallel_loop3A_143 = arith.index_cast %parallel_loop3A_130 : i32 to index
          %parallel_loop3A_144 = arith.constant 32 : index
          %parallel_loop3A_145 = tpu.vector_load %arg13[%parallel_loop3A_142, %parallel_loop3A_143, %parallel_loop3A_144] {strides = array<i32>} : memref<8x8x128xf32, #tpu.memory_space<vmem>>, vector<16xf32>,
          tpu.vector_store %arg13[%parallel_loop3A_142, %parallel_loop3A_143, %parallel_loop3A_144], %parallel_loop3A_141 {strides = array<i32>} : memref<8x8x128xf32, #tpu.memory_space<vmem>>, vector<16xf32>,
          %parallel_loop3A_146 = tpu.vector_load_idx %arg11[%add3A_14, %parallel_loop3A_126] : memref<128x80xf32, #tpu.memory_space<vmem>>[vector<16xi32>, vector<16xi32>], vector<16xf32>,
          %parallel_loop3A_147 = arith.index_cast %parallel_loop3A_128 : i32 to index
          %parallel_loop3A_148 = arith.index_cast %parallel_loop3A_130 : i32 to index
          %parallel_loop3A_149 = arith.constant 48 : index
          %parallel_loop3A_150 = tpu.vector_load %arg13[%parallel_loop3A_147, %parallel_loop3A_148, %parallel_loop3A_149] {strides = array<i32>} : memref<8x8x128xf32, #tpu.memory_space<vmem>>, vector<16xf32>,
          tpu.vector_store %arg13[%parallel_loop3A_147, %parallel_loop3A_148, %parallel_loop3A_149], %parallel_loop3A_146 {strides = array<i32>} : memref<8x8x128xf32, #tpu.memory_space<vmem>>, vector<16xf32>,
          %parallel_loop3A_151 = tpu.vector_load_idx %arg11[%add3A_17, %parallel_loop3A_126] : memref<128x80xf32, #tpu.memory_space<vmem>>[vector<16xi32>, vector<16xi32>], vector<16xf32>,
          %parallel_loop3A_152 = arith.index_cast %parallel_loop3A_128 : i32 to index
          %parallel_loop3A_153 = arith.index_cast %parallel_loop3A_130 : i32 to index
          %parallel_loop3A_154 = arith.constant 64 : index
          %parallel_loop3A_155 = tpu.vector_load %arg13[%parallel_loop3A_152, %parallel_loop3A_153, %parallel_loop3A_154] {strides = array<i32>} : memref<8x8x128xf32, #tpu.memory_space<vmem>>, vector<16xf32>,
          tpu.vector_store %arg13[%parallel_loop3A_152, %parallel_loop3A_153, %parallel_loop3A_154], %parallel_loop3A_151 {strides = array<i32>} : memref<8x8x128xf32, #tpu.memory_space<vmem>>, vector<16xf32>,
          %parallel_loop3A_156 = tpu.vector_load_idx %arg11[%add3A_20, %parallel_loop3A_126] : memref<128x80xf32, #tpu.memory_space<vmem>>[vector<16xi32>, vector<16xi32>], vector<16xf32>,
          %parallel_loop3A_157 = arith.index_cast %parallel_loop3A_128 : i32 to index
          %parallel_loop3A_158 = arith.index_cast %parallel_loop3A_130 : i32 to index
          %parallel_loop3A_159 = arith.constant 80 : index
          %parallel_loop3A_160 = tpu.vector_load %arg13[%parallel_loop3A_157, %parallel_loop3A_158, %parallel_loop3A_159] {strides = array<i32>} : memref<8x8x128xf32, #tpu.memory_space<vmem>>, vector<16xf32>,
          tpu.vector_store %arg13[%parallel_loop3A_157, %parallel_loop3A_158, %parallel_loop3A_159], %parallel_loop3A_156 {strides = array<i32>} : memref<8x8x128xf32, #tpu.memory_space<vmem>>, vector<16xf32>,
          %parallel_loop3A_161 = tpu.vector_load_idx %arg11[%add3A_23, %parallel_loop3A_126] : memref<128x80xf32, #tpu.memory_space<vmem>>[vector<16xi32>, vector<16xi32>], vector<16xf32>,
          %parallel_loop3A_162 = arith.index_cast %parallel_loop3A_128 : i32 to index
          %parallel_loop3A_163 = arith.index_cast %parallel_loop3A_130 : i32 to index
          %parallel_loop3A_164 = arith.constant 96 : index
          %parallel_loop3A_165 = tpu.vector_load %arg13[%parallel_loop3A_162, %parallel_loop3A_163, %parallel_loop3A_164] {strides = array<i32>} : memref<8x8x128xf32, #tpu.memory_space<vmem>>, vector<16xf32>,
          tpu.vector_store %arg13[%parallel_loop3A_162, %parallel_loop3A_163, %parallel_loop3A_164], %parallel_loop3A_161 {strides = array<i32>} : memref<8x8x128xf32, #tpu.memory_space<vmem>>, vector<16xf32>,
          %parallel_loop3A_166 = tpu.vector_load_idx %arg11[%add3A_26, %parallel_loop3A_126] : memref<128x80xf32, #tpu.memory_space<vmem>>[vector<16xi32>, vector<16xi32>], vector<16xf32>,
          %parallel_loop3A_167 = arith.index_cast %parallel_loop3A_128 : i32 to index
          %parallel_loop3A_168 = arith.index_cast %parallel_loop3A_130 : i32 to index
          %parallel_loop3A_169 = arith.constant 112 : index
          %parallel_loop3A_170 = tpu.vector_load %arg13[%parallel_loop3A_167, %parallel_loop3A_168, %parallel_loop3A_169] {strides = array<i32>} : memref<8x8x128xf32, #tpu.memory_space<vmem>>, vector<16xf32>,
          tpu.vector_store %arg13[%parallel_loop3A_167, %parallel_loop3A_168, %parallel_loop3A_169], %parallel_loop3A_166 {strides = array<i32>} : memref<8x8x128xf32, #tpu.memory_space<vmem>>, vector<16xf32>,
        } {sc.loop_unroll_factor = 4 : i64, sc.parallel_access}
        %dma_start3A_115 = arith.constant 0 : i32
        %dma_start3A_116 = arith.constant 0 : i32
        %dma_start3A_117 = arith.constant 0 : i32
        %dma_start3A_118 = tpu.memref_slice %arg5[%shift_right_arithmetic3A_85, %dma_start3A_115, %and3A_87, %dma_start3A_116, %dma_start3A_117] : memref<200x8x8x8x128xf32, #tpu.memory_space<hbm>> -> memref<1x8x1x8x128xf32, #tpu.memory_space<hbm>>
        %dma_start3A_119 = tpu.memref_squeeze %dma_start3A_118 : memref<1x8x1x8x128xf32, #tpu.memory_space<hbm>> -> memref<8x8x128xf32, #tpu.memory_space<hbm>>
        %dma_start3A_120 = arith.constant 0 : i32
        %dma_start3A_121 = arith.constant 0 : i32
        %dma_start3A_122 = arith.constant 0 : i32
        %dma_start3A_123 = tpu.memref_slice %arg5[%shift_right_arithmetic3A_85, %dma_start3A_120, %and3A_87, %dma_start3A_121, %dma_start3A_122] : memref<200x8x8x8x128xf32, #tpu.memory_space<hbm>> -> memref<1x8x1x8x128xf32, #tpu.memory_space<hbm>>
        %dma_start3A_124 = tpu.memref_squeeze %dma_start3A_123 : memref<1x8x1x8x128xf32, #tpu.memory_space<hbm>> -> memref<8x8x128xf32, #tpu.memory_space<hbm>>
        tpu.enqueue_dma source(%arg13 : memref<8x8x128xf32, #tpu.memory_space<vmem>>) target(%dma_start3A_124 : memref<8x8x128xf32, #tpu.memory_space<hbm>>) target_semaphore(%arg18 : memref<!tpu.dma_semaphore, #tpu.memory_space<semaphore_mem>>)
      } else {
      }
    }
    %scan3A_39 = arith.constant 50 : i32
    %add3A_40 = arith.constant 48 : i32
    %add3A_41 = arith.addi %mul3A_2, %add3A_40 : i32
    %shift_right_arithmetic3A_42 = arith.constant 3 : i32
    %shift_right_arithmetic3A_43 = arith.shrsi %add3A_41, %shift_right_arithmetic3A_42 : i32
    %and3A_44 = arith.constant 7 : i32
    %and3A_45 = arith.andi %add3A_41, %and3A_44 : i32
    %dma_wait3A = arith.constant 0 : i32
    %dma_wait3A_46 = arith.constant 0 : i32
    %dma_wait3A_47 = arith.constant 0 : i32
    %dma_wait3A_48 = tpu.memref_slice %arg5[%shift_right_arithmetic3A_43, %dma_wait3A, %and3A_45, %dma_wait3A_46, %dma_wait3A_47] : memref<200x8x8x8x128xf32, #tpu.memory_space<hbm>> -> memref<1x8x1x8x128xf32, #tpu.memory_space<hbm>>
    %dma_wait3A_49 = tpu.memref_squeeze %dma_wait3A_48 : memref<1x8x1x8x128xf32, #tpu.memory_space<hbm>> -> memref<8x8x128xf32, #tpu.memory_space<hbm>>
    %dma_wait3A_50 = arith.constant 0 : i32
    %dma_wait3A_51 = arith.constant 0 : i32
    %dma_wait3A_52 = arith.constant 0 : i32
    %dma_wait3A_53 = tpu.memref_slice %arg5[%shift_right_arithmetic3A_43, %dma_wait3A_50, %and3A_45, %dma_wait3A_51, %dma_wait3A_52] : memref<200x8x8x8x128xf32, #tpu.memory_space<hbm>> -> memref<1x8x1x8x128xf32, #tpu.memory_space<hbm>>
    %dma_wait3A_54 = tpu.memref_squeeze %dma_wait3A_53 : memref<1x8x1x8x128xf32, #tpu.memory_space<hbm>> -> memref<8x8x128xf32, #tpu.memory_space<hbm>>
    tpu.wait_dma2 semaphore(%arg17 : memref<!tpu.dma_semaphore, #tpu.memory_space<semaphore_mem>>) src(%arg12 : memref<8x8x128xf32, #tpu.memory_space<vmem>>) dst(%dma_wait3A_54 : memref<8x8x128xf32, #tpu.memory_space<hbm>>)
    %add3A_55 = arith.constant 49 : i32
    %add3A_56 = arith.addi %mul3A_2, %add3A_55 : i32
    %shift_right_arithmetic3A_57 = arith.constant 3 : i32
    %shift_right_arithmetic3A_58 = arith.shrsi %add3A_56, %shift_right_arithmetic3A_57 : i32
    %and3A_59 = arith.constant 7 : i32
    %and3A_60 = arith.andi %add3A_56, %and3A_59 : i32
    %dma_wait3A_61 = arith.constant 0 : i32
    %dma_wait3A_62 = arith.constant 0 : i32
    %dma_wait3A_63 = arith.constant 0 : i32
    %dma_wait3A_64 = tpu.memref_slice %arg5[%shift_right_arithmetic3A_58, %dma_wait3A_61, %and3A_60, %dma_wait3A_62, %dma_wait3A_63] : memref<200x8x8x8x128xf32, #tpu.memory_space<hbm>> -> memref<1x8x1x8x128xf32, #tpu.memory_space<hbm>>
    %dma_wait3A_65 = tpu.memref_squeeze %dma_wait3A_64 : memref<1x8x1x8x128xf32, #tpu.memory_space<hbm>> -> memref<8x8x128xf32, #tpu.memory_space<hbm>>
    %dma_wait3A_66 = arith.constant 0 : i32
    %dma_wait3A_67 = arith.constant 0 : i32
    %dma_wait3A_68 = arith.constant 0 : i32
    %dma_wait3A_69 = tpu.memref_slice %arg5[%shift_right_arithmetic3A_58, %dma_wait3A_66, %and3A_60, %dma_wait3A_67, %dma_wait3A_68] : memref<200x8x8x8x128xf32, #tpu.memory_space<hbm>> -> memref<1x8x1x8x128xf32, #tpu.memory_space<hbm>>
    %dma_wait3A_70 = tpu.memref_squeeze %dma_wait3A_69 : memref<1x8x1x8x128xf32, #tpu.memory_space<hbm>> -> memref<8x8x128xf32, #tpu.memory_space<hbm>>
    tpu.wait_dma2 semaphore(%arg18 : memref<!tpu.dma_semaphore, #tpu.memory_space<semaphore_mem>>) src(%arg13 : memref<8x8x128xf32, #tpu.memory_space<vmem>>) dst(%dma_wait3A_70 : memref<8x8x128xf32, #tpu.memory_space<hbm>>)
    return
  }
}

</mosaic_0001>

<sc_bundles>
// kernel: kernel.3.cloned.1.call-start
scs
__scs_entry_jumppad:
0x0: {  	(pc) =	sbr.rel $0x88, $3  }
0x1: {  	(tag) =	ssettag $0x0;
	lr =	simm.s32 $0x1  }
0x2: {  	[smem:$0x3F9F] =	sst lr;
	_ =	strace $0xD0000000  }
0x3: {  	_ = 	snop  }
0x4: {  	_ = 	snop  }
0x5: {  	_ = 	snop  }
0x6: {  	_ = 	snop  }
0x7: {  	_ = 	snop  }
__scs_overlays_trampoline_lowered:
0x8: {  	[smem:$0x3FAE] =	sst s0  }
0x9: {  	[smem:$0x3FAF] =	sst s1  }
0xa: {  	[smem:$0x3FB0] =	sst s2  }
0xb: {  	[smem:$0x3FB1] =	sst s3  }
0xc: {  	[smem:$0x3FB2] =	sst s4  }
0xd: {  	[smem:$0x3FB3] =	sst s5  }
0xe: {  	[smem:$0x3FB4] =	sst s6  }
0xf: {  	[smem:$0x3FB5] =	sst s7  }
0x10: {  	[smem:$0x3FB6] =	sst s8  }
0x11: {  	[smem:$0x3FB7] =	sst s9;
	s0 =	simm.s32 @!p0 $0x0  }
0x12: {  	s1 =	sld [smem:$0x3F9D];
	s0 =	simm.s32 @p0 $0x1  }
0x13: {  	[smem:$0x3FB8] =	sst s0;
	s0 =	simm.s32 @!p1 $0x0  }
0x14: {  	s2 =	sld [smem:$0x3F9C];
	s0 =	simm.s32 @p1 $0x1  }
0x15: {  	[smem:$0x3FB9] =	sst s0;
	s0 =	simm.s32 @!p2 $0x0  }
0x16: {  	s3 =	sld [smem:$0x3FDB];
	s0 =	simm.s32 @p2 $0x1  }
0x17: {  	s4 =	simm.s32 $0x1BF5;
	[smem:$0x3FBB] =	sst s0  }
0x18: {  	s0 =	sld [smem:$0x3F9E];
	_ =	swait.ge [sflag:s4], $0x0  }
0x19: {  	s7 =	sld [smem:$0x3F9F]  }
0x1a: {  	s8 =	sadd.s32 $0xFFFFE003, lr  }
0x1b: {  	s9 =	sadd.s32 $0xFFFFFEF7, lr;
	s5 =	simm.s32 $0xFFFFFFFF;
	p2 =	slt.u32 s8, $0xFFFFF086  }
0x1c: {  	p1 =	slt.u32 s9, $0xF7A;
	s5 =	simm.s32 @!p2 $0x0  }
0x1d: {  	s5 =	simm.s32 @p1 $0x1;
	p0 =	seq.s32 s7, s2  }
0x1e: {  	s7 =	smul.u32 @!p0 $0xF7A, s2;
	p2 =	seq.s32 @!p0 s5, $0x0  }
0x1f: {  	s9 =	smul.u32 $0xF7A, s1;
	s8 =	simm.s32 @!p0 $0x1BF5;
	p2 =	por !p2, p0  }
0x20: {  	[sflag:s8] =	ssyncset.s32 @!p0 $0xFFFFF086;
	s6 =	sadd.s32 @!p0 s3, s7;
	s7 =	simm.s32 @!p0 $0x108  }
0x21: {  	s3 =	sadd.s32 s3, s9;
	s6 =	sadd.s32 @!p0 $0x88, s6;
	s7 =	simm.s32 @p2 $0x1082  }
0x22: {  	[simem:s7], [sflag:s8] =	dma.local @!p0 [hbm:s6], $0xF7A  }
0x23: {  	s9 =	sor.u32 $0xD0000000, s2;
	s6 =	simm.s32 $0x108;
	_ =	swait.ge @!p0 [sflag:s8], $0x0  }
0x24: {  	s3 =	sadd.s32 $0x88, s3;
	s6 =	simm.s32 @!p1 $0x1082;
	[sflag:s4] =	ssyncset.s32 $0xFFFFF086  }
0x25: {  	[simem:s6], [sflag:s4] =	dma.local [hbm:s3], $0xF7A  }
0x26: {  	[smem:$0x3F9F] =	sst s1;
	(tag) =	ssettag s2;
	_ =	strace s9  }
0x27: {  	s1 =	sld [smem:$0x3FAF]  }
0x28: {  	s2 =	sld [smem:$0x3FB0]  }
0x29: {  	s4 =	sld [smem:$0x3FB2]  }
0x2a: {  	p0 =	seq.s32 s5, $0x0;
	s5 =	sld [smem:$0x3FB3]  }
0x2b: {  	s6 =	sld [smem:$0x3FB4]  }
0x2c: {  	s7 =	sld [smem:$0x3FB5]  }
0x2d: {  	s3 =	simm.s32 $0x108;
	s8 =	sld [smem:$0x3FB6]  }
0x2e: {  	s3 =	simm.s32 @!p0 $0x1082;
	s9 =	sld [smem:$0x3FB7]  }
0x2f: {  	lr =	sadd.s32 s0, s3;
	s0 =	sld [smem:$0x3FAE]  }
0x30: {  	s3 =	sld [smem:$0x3FB1]  }
0x31: {  	[smem:$0x3FBA] =	sst s10  }
0x32: {  	s10 =	sld [smem:$0x3FB8];
	_ =	sdelay $0x3  }
0x33: {  	p0 =	seq.s32 s10, $0x1;
	s10 =	sld [smem:$0x3FBA];
	_ =	sdelay $0x3  }
0x34: {  	[smem:$0x3FBA] =	sst s10  }
0x35: {  	s10 =	sld [smem:$0x3FB9];
	_ =	sdelay $0x3  }
0x36: {  	p1 =	seq.s32 s10, $0x1;
	s10 =	sld [smem:$0x3FBA];
	_ =	sdelay $0x3  }
0x37: {  	[smem:$0x3FBA] =	sst s10  }
0x38: {  	s10 =	sld [smem:$0x3FBB]  }
0x39: {  	_ = 	snop;
	(pc) =	sbr.ind lr, $3  }
0x3a: {  	_ = 	snop  }
0x3b: {  	_ = 	snop  }
0x3c: {  	p2 =	seq.s32 s10, $0x1;
	s10 =	sld [smem:$0x3FBA]  }
0x3d: {  	_ =	shalt  }
0x3e: {  	_ =	shalt  }
0x3f: {  	_ =	shalt  }
0x40: {  	_ =	shalt  }
0x41: {  	_ =	shalt  }
0x42: {  	_ =	shalt  }
0x43: {  	_ =	shalt  }
0x44: {  	_ =	shalt  }
0x45: {  	_ =	shalt  }
0x46: {  	_ =	shalt  }
0x47: {  	_ =	shalt  }
0x48: {  	_ =	shalt  }
0x49: {  	_ =	shalt  }
0x4a: {  	_ =	shalt  }
0x4b: {  	_ =	shalt  }
0x4c: {  	_ =	shalt  }
0x4d: {  	_ =	shalt  }
0x4e: {  	_ =	shalt  }
0x4f: {  	_ =	shalt  }
0x50: {  	_ =	shalt  }
0x51: {  	_ =	shalt  }
0x52: {  	_ =	shalt  }
0x53: {  	_ =	shalt  }
0x54: {  	_ =	shalt  }
0x55: {  	_ =	shalt  }
0x56: {  	_ =	shalt  }
0x57: {  	_ =	shalt  }
0x58: {  	_ =	shalt  }
0x59: {  	_ =	shalt  }
0x5a: {  	_ =	shalt  }
0x5b: {  	_ =	shalt  }
0x5c: {  	_ =	shalt  }
0x5d: {  	_ =	shalt  }
0x5e: {  	_ =	shalt  }
0x5f: {  	_ =	shalt  }
0x60: {  	_ =	shalt  }
0x61: {  	_ =	shalt  }
0x62: {  	_ =	shalt  }
0x63: {  	_ =	shalt  }
0x64: {  	_ =	shalt  }
0x65: {  	_ =	shalt  }
0x66: {  	_ =	shalt  }
0x67: {  	_ =	shalt  }
0x68: {  	_ =	shalt  }
0x69: {  	_ =	shalt  }
0x6a: {  	_ =	shalt  }
0x6b: {  	_ =	shalt  }
0x6c: {  	_ =	shalt  }
0x6d: {  	_ =	shalt  }
0x6e: {  	_ =	shalt  }
0x6f: {  	_ =	shalt  }
0x70: {  	_ =	shalt  }
0x71: {  	_ =	shalt  }
0x72: {  	_ =	shalt  }
0x73: {  	_ =	shalt  }
0x74: {  	_ =	shalt  }
0x75: {  	_ =	shalt  }
0x76: {  	_ =	shalt  }
0x77: {  	_ =	shalt  }
0x78: {  	_ =	shalt  }
0x79: {  	_ =	shalt  }
0x7a: {  	_ =	shalt  }
0x7b: {  	_ =	shalt  }
0x7c: {  	_ =	shalt  }
0x7d: {  	_ =	shalt  }
0x7e: {  	_ =	shalt  }
0x7f: {  	_ =	shalt  }
0x80: {  	_ =	shalt  }
0x81: {  	_ =	shalt  }
0x82: {  	_ =	shalt  }
0x83: {  	_ =	shalt  }
0x84: {  	_ =	shalt  }
0x85: {  	_ =	shalt  }
0x86: {  	_ =	shalt  }
0x87: {  	_ =	shalt  }
.Lfunc_end0:
.L_simem_size_0:
called_computation_lowered:
.L_overlay_start_0:
0x88: {  	s2 =	sld [smem:$0x3FD9]  }
0x89: {  	s3 =	sld [smem:$0x3FFE];
	_ =	sdelay $0x1  }
0x8a: {  	s1 =	srdreg.scid  }
0x8b: {  	s0 =	sand.u32 $0x1, s1  }
0x8c: {  	s17 =	sshll.u32 s0, $0xA;
	s2 =	sadd.s32 s3, s2  }
0x8d: {  	s2 =	sadd.s32 s2, s17  }
0x8e: {  	[smem:$0x3FC6] =	sst s2  }
0x8f: {  	_ = 	snop  }
0x90: {  	s2 =	sld [smem:$0x3FC9]  }
0x91: {  	s18 =	sld [smem:$0x3FD0];
	(tm) =	ssettm $0x1  }
0x92: {  	s4 =	sld [smem:$0x3FFB];
	_ =	sdelay $0x3  }
0x93: {  	_ =	strace s4  }
0x94: {  	s4 =	sld [smem:$0x3FFC];
	_ =	sdelay $0x3  }
0x95: {  	_ =	strace s4  }
0x96: {  	s4 =	sld [smem:$0x3FFD];
	_ =	sdelay $0x3  }
0x97: {  	_ =	strace s4  }
0x98: {  	_ =	strace $0x8FFFFFFF  }
0x99: {  	s19 =	sld [smem:$0x3FDB];
	_ =	sdelay $0x1  }
0x9a: {  	s5 =	simm.s32 $_scs_section_size  }
0x9b: {  	s6 =	simm.s32 $_size__tile_overlayer_lowered;
	s7 =	simm.s32 $_tile_overlayer_lowered  }
0x9c: {  	s22 =	simm.s32 $0x1BFF;
	s21 =	sshll.u32 s7, $0x1;
	s4 =	sadd.s32 s5, s19  }
0x9d: {  	s8 =	simm.s32 $0x0;
	s20 =	sshll.u32 s6, $0x1;
	s6 =	sadd.s32 s21, s4  }
0x9e: {  	[timem:s8], [sflag:s22] =	dma.local [hbm:s6], s20  }
0x9f: {  	_ =	swait.ge [sflag:s22], s20  }
0xa0: {  	s5 =	ssub.s32 $0x0, s20;
	[sflag:s22] =	ssyncset.done $0x0  }
0xa1: {  	[sflag:s22] =	ssyncadd.s32 s5;
	_ =	sdelay $0x1  }
0xa2: {  	s23 =	simm.s32 $0x1B8B  }
0xa3: {  	_ =	swait.ge [sflag:s23], $0x1  }
0xa4: {  	[sflag:s23] =	ssyncset.done $0x0  }
0xa5: {  	s25 =	simm.s32 $0x1B8E;
	s24 =	sld [smem:$0x3FFE];
	[sflag:s23] =	ssyncadd.s32 $0xFFFFFFFF  }
0xa6: {  	s26 =	simm.s32 $execute0_lowered;
	[smem:$0x3FD2] =	sst s25  }
0xa7: {  	s6 =	sshll.u32 s26, $0x1;
	_ =	strace $0x80000046;
	[dreg:$0x1] =	wrdreg $0xFFFFFFFF  }
0xa8: {  	s28 =	simm.s32 $_size_execute0_lowered;
	s4 =	sadd.s32 s4, s6;
	[dreg:$0x0] =	wrdreg $0x0  }
0xa9: {  	s6 =	sshll.u32 s28, $0x1;
	[dreg:$0x2] =	wrdreg s4  }
0xaa: {  	[dreg:$0x3] =	wrdreg s6  }
0xab: {  	[dreg:$0x4] =	wrdreg $0xC0  }
0xac: {  	_ =	task [dreg:s8], $0x5FFFF  }
0xad: {  	[dreg:$0x1] =	wrdreg $0xFFFFFFFF  }
0xae: {  	[dreg:$0x0] =	wrdreg $0x60  }
0xaf: {  	[dreg:$0x2] =	wrdreg s2  }
0xb0: {  	[dreg:$0x3] =	wrdreg s24  }
0xb1: {  	[dreg:$0x4] =	wrdreg s18  }
0xb2: {  	[dreg:$0x5] =	wrdreg $0x9  }
0xb3: {  	_ =	task.clear_ibuf [dreg:s8], $0x6FFFF;
	_ =	strace $0x90000046  }
0xb4: {  	s29 =	simm.s32 $0x9;
	_ =	strace $0x80000048  }
0xb5: {  	_ =	swait.ge [sflag:s29], $0x1  }
0xb6: {  	[sflag:s29] =	ssyncadd.s32 $0xFFFFFFFF  }
0xb7: {  	_ =	strace $0x90000048  }
0xb8: {  	_ =	sfence  }
0xb9: {  	s30 =	sld [smem:$0x0];
	_ =	sdelay $0x2  }
0xba: {  	s31 =	sshll.u32 s1, $0xD;
	s1 =	sshrl.u32 s1, $0x2  }
0xbb: {  	s3 =	sand.u32 $0x4000, s31;
	s1 =	sadd.s32 s1, s30  }
0xbc: {  	s0 =	sor.u32 s3, s0;
	s1 =	sshll.u32 s1, $0x11  }
0xbd: {  	s0 =	sor.u32 s1, s0  }
0xbe: {  	s0 =	sadd.s32 $0x8F2B, s0  }
0xbf: {  	[sflag:s0] =	ssyncadd.remote.s32 $0x1  }
0xc0: {  	_ =	sfence.sel $0xFFFF  }
0xc1: {  	[dreg:$0x0] =	wrdreg $0xFFFFFFFF;
	(pc) =	sbr.abs _section_cstart, $3  }
0xc2: {  	[dreg:$0x1] =	wrdreg $0xFFFFFFFF  }
0xc3: {  	_ =	task.clear_ibuf [dreg:s8], $0x2FFFF;
	_ =	strace $0x9FFFFFFF  }
0xc4: {  	(tm) =	ssettm $0x7FFFFFFF  }
0xc5: {  	_ =	shalt  }
tec
execute0_lowered:
.L_overlay_start_1:
0x0: {  	(tag) =	ssettag $0x1  }
0x1: {  	s1 =	rddreg [dreg:$0x0];
	s0 =	srdreg.scid  }
0x2: {  	s3 =	stileid.u32;
	s2 =	rddreg [dreg:$0x1]  }
0x3: {  	s29 =	simm.s32 $0x0;
	s12 =	simm.s32 $0x5;
	s13 =	simm.s32 $0x80  }
0x4: {  	s15 =	simm.s32 $0x2;
	s16 =	simm.s32 $0x6900;
	s17 =	simm.s32 $0x400  }
0x5: {  	s18 =	simm.s32 $0x2000;
	s19 =	simm.s32 $0xB100;
	s23 =	simm.s32 $0x1  }
0x6: {  	s0 =	sand.u32 $0x1, s0;
	s4 =	sshll.u32 s3, $0x1;
	s3 =	rddreg [dreg:$0x2]  }
0x7: {  	s24 =	simm.s32 $0x4100;
	[smem:$0x7FF] =	sst s29;
	s6 =	sor.u32 s0, s4  }
0x8: {  	_ =	strace $0x80000047;
	s0 =	ssub.s32 $0x2, s0;
	s5 =	smul.u32 $0x1900, s6  }
0x9: {  	s7 =	sshll.u32 s6, $0xB;
	s8 =	smul.u32 $0x320, s6;
	s30 =	sshrl.u32 s0, $0x1  }
0xa: {  	v0 =	vlaneseq.u32;
	s7 =	sand.u32 $0x1800, s7;
	s0 =	ssub.s32 s0, s30;
	s5 =	sand.u32 $0x3E000, s5  }
.Ltmp0:
0xb: {  	v0 =	vmul.u32 $0x50, v0;
	s8 =	sand.u32 $0x380, s8;
	s7 =	sor.u32 s7, s5;
	(pc) =	sbr.rel .LBB2_1-.Ltmp0, $4  }
0xc: {  	s0 =	smax.u32 s0, $0x1;
	s5 =	sadd.s32 $0xC00, s2;
	s7 =	sor.u32 s8, s7  }
0xd: {  	v1 =	vadd.s32 $0x500, v0;
	s2 =	sadd.s32 $0x400, s2;
	[dreg:$0x6] =	wrdreg s0;
	s8 =	sshrl.u32 s7, $0x3  }
0xe: {  	s9 =	sadd.s32 $0x80, s1;
	v2 =	vadd.s32 $0xA00, v0;
	v3 =	vadd.s32 $0xF00, v0;
	v4 =	vadd.s32 $0x1400, v0;
	[dreg:$0x4] =	wrdreg s2;
	s31 =	sadd.s32 s1, s8  }
0xf: {  	s4 =	simm.s32 $0x0;
	v5 =	vadd.s32 $0x1900, v0;
	v6 =	vadd.s32 $0x1E00, v0;
	v7 =	vadd.s32 $0x2300, v0;
	s7 =	smul.u32 $0x32, s6;
	[dreg:$0x5] =	wrdreg s31  }
.LBB2_22:
0x10: {  	s0 =	simm.s32 $0x3  }
0x11: {  	_ =	swait.ge [sflag:s0], $0x2000  }
0x12: {  	[sflag:s0] =	ssyncset.done $0x0  }
0x13: {  	s2 =	simm.s32 $0x4;
	[sflag:s0] =	ssyncadd.s32 $0xFFFFE000  }
0x14: {  	_ =	swait.ge [sflag:s2], $0x2000  }
0x15: {  	s4 =	rddreg [dreg:$0x7]  }
0x16: {  	s31 =	rddreg [dreg:$0x6];
	s4 =	sadd.s32 $0x1, s4  }
0x17: {  	p0 =	sne.s32 s4, s31  }
.Ltmp1:
0x18: {  	_ = 	snop;
	(pc) =	sbr.rel @!p0 .LBB2_23-.Ltmp1, $3  }
0x19: {  	_ =	sdelay $0x1  }
0x1a: {  	[sflag:s2] =	ssyncset.done $0x0  }
0x1b: {  	[sflag:s2] =	ssyncadd.s32 $0xFFFFE000  }
.LBB2_1:
0x1c: {  	[dreg:$0x7] =	wrdreg s4  }
0x1d: {  	s0 =	simm.s32 $0x0;
	s2 =	rddreg [dreg:$0x4];
	s29 =	simm.s32 $0xD100  }
0x1e: {  	[tilespmem:s29], [sflag:$0x5] =	stream.linear.gather [hbm4b:s2+s0], $0x3200, $0x38;
	[tilespmem:$0x10300] =	vst v63  }
0x1f: {  	_ =	swait.ge [sflag:s12], $0x3200  }
0x20: {  	[sflag:s12] =	ssyncset.done $0x0  }
0x21: {  	s30 =	rddreg [dreg:$0x5];
	[sflag:s12] =	ssyncadd.s32 $0xFFFFCE00  }
0x22: {  	[tilespmem:s0], [sflag:$0x5] =	stream.linear.gather [hbm4b:s30+s0], $0x80, $0x38;
	[tilespmem:$0x10300] =	vst v63  }
.Ltmp2:
0x23: {  	_ = 	snop;
	(pc) =	sbr.rel .LBB2_2-.Ltmp2, $4  }
0x24: {  	_ =	swait.ge [sflag:s12], $0x80  }
0x25: {  	[sflag:s12] =	ssyncset.done $0x0  }
0x26: {  	s31 =	simm.s32 $0x100;
	s28 =	simm.s32 $0x0;
	[sflag:s12] =	ssyncadd.s32 $0xFFFFFF80  }
0x27: {  	[tilespmem:s31], [sflag:$0x1] =	stream.indirect.gather [hbm4b:s5+s13], $0x40, s0, s13, $0xb8;
	[tilespmem:$0x10300] =	vst v63  }
.LBB2_15:
0x28: {  	s14 =	smov.u32 s6  }
.LBB2_20:
0x29: {  	_ =	sdelay $0x3  }
0x2a: {  	v8 =	vadd.s32 v4, v15;
	v10 =	vld.idx.msk [tilespmem:v25+s16+$0x0], $0xffff;
	[tilespmem:s14+$0x20] =	vst v22  }
0x2b: {  	v43 =	vadd.s32 v4, v12;
	v9 =	vld.idx.msk [tilespmem:v24+s16+$0x0], $0xffff  }
0x2c: {  	v11 =	vadd.s32 v4, v13  }
0x2d: {  	[tilespmem:s2+$0x30] =	vst v19  }
0x2e: {  	[tilespmem:s0+$0x30] =	vst v20;
	v19 =	vld.idx.msk [tilespmem:v26+s16+$0x0], $0xffff  }
0x2f: {  	v45 =	vadd.s32 v5, v14;
	v8 =	vld.idx.msk [tilespmem:v8+s16+$0x0], $0xffff;
	[tilespmem:s11+$0xFFFFFFF0] =	vst v10  }
0x30: {  	v44 =	vadd.s32 v5, v15;
	v47 =	vld.idx.msk [tilespmem:v43+s16+$0x0], $0xffff;
	[tilespmem:s14+$0x30] =	vst v9  }
0x31: {  	v49 =	vadd.s32 v5, v12;
	v46 =	vld.idx.msk [tilespmem:v11+s16+$0x0], $0xffff  }
0x32: {  	v48 =	vadd.s32 v5, v13  }
0x33: {  	[tilespmem:s2+$0x40] =	vst v19  }
0x34: {  	v9 =	vld.idx.msk [tilespmem:v45+s16+$0x0], $0xffff;
	[tilespmem:s0+$0x40] =	vst v8  }
0x35: {  	v51 =	vadd.s32 v6, v14;
	v8 =	vld.idx.msk [tilespmem:v44+s16+$0x0], $0xffff;
	[tilespmem:s11+$0x0] =	vst v47  }
0x36: {  	v50 =	vadd.s32 v6, v15;
	v53 =	vld.idx.msk [tilespmem:v49+s16+$0x0], $0xffff;
	[tilespmem:s14+$0x40] =	vst v46  }
0x37: {  	v55 =	vadd.s32 v6, v12;
	v52 =	vld.idx.msk [tilespmem:v48+s16+$0x0], $0xffff  }
0x38: {  	v54 =	vadd.s32 v6, v13;
	[tilespmem:s10+$0x20] =	vst @p0 v21  }
0x39: {  	[tilespmem:s2+$0x50] =	vst v9  }
0x3a: {  	v9 =	vld.idx.msk [tilespmem:v51+s16+$0x0], $0xffff;
	[tilespmem:s0+$0x50] =	vst v8  }
0x3b: {  	v57 =	vadd.s32 v7, v14;
	v8 =	vld.idx.msk [tilespmem:v50+s16+$0x0], $0xffff;
	[tilespmem:s11+$0x10] =	vst v53  }
0x3c: {  	v56 =	vadd.s32 v7, v15;
	v59 =	vld.idx.msk [tilespmem:v55+s16+$0x0], $0xffff;
	[tilespmem:s14+$0x50] =	vst v52  }
0x3d: {  	[tilespmem:s21+$0x70] =	vst @p0 v18;
	v61 =	vadd.s32 v7, v12;
	v58 =	vld.idx.msk [tilespmem:v54+s16+$0x0], $0xffff  }
0x3e: {  	v60 =	vadd.s32 v7, v13;
	v18 =	vld.idx.msk @p0 [tilespmem:v23+s16+$0x0], $0xffff;
	[tilespmem:s25+$0x70] =	vst @p0 v16  }
0x3f: {  	v16 =	vld.idx.msk @p0 [tilespmem:v17+s16+$0x0], $0xffff;
	[tilespmem:s2+$0x60] =	vst v9  }
0x40: {  	v9 =	vld.idx.msk [tilespmem:v57+s16+$0x0], $0xffff;
	[tilespmem:s0+$0x60] =	vst v8  }
0x41: {  	v8 =	vld.idx.msk [tilespmem:v56+s16+$0x0], $0xffff;
	[tilespmem:s11+$0x20] =	vst v59  }
0x42: {  	v63 =	vld.idx.msk [tilespmem:v61+s16+$0x0], $0xffff;
	[tilespmem:s14+$0x60] =	vst v58  }
0x43: {  	[tilespmem:s6+$0x70] =	vst @p0 v18;
	v62 =	vld.idx.msk [tilespmem:v60+s16+$0x0], $0xffff  }
0x44: {  	[tilespmem:s10+$0x30] =	vst @p0 v16  }
0x45: {  	s30 =	sshll.u32 s30, $0x7;
	[tilespmem:s2+$0x70] =	vst v9  }
0x46: {  	[tilespmem:s0+$0x70] =	vst v8;
	s0 =	sand.u32 $0x380, s30  }
0x47: {  	s31 =	sshll.u32 s29, $0xD;
	s0 =	sadd.s32 s3, s0;
	[tilespmem:s11+$0x30] =	vst v63  }
0x48: {  	s0 =	sadd.s32 s31, s0;
	[tilespmem:s14+$0x70] =	vst v62  }
0x49: {  	[hbm4b:s0+s17] =	stream.strided.scatter [tilespmem:s19], [sflag:$0x4], $0x2000, s18, s17, $0x38;
	[tilespmem:$0x10300] =	vst v63  }
.LBB2_21:
0x4a: {  	s28 =	sadd.s32 $0x1, s28  }
0x4b: {  	p0 =	sne.s32 s28, $0x32  }
.Ltmp3:
0x4c: {  	_ = 	snop;
	(pc) =	sbr.rel @!p0 .LBB2_22-.Ltmp3, $1  }
0x4d: {  	_ =	sdelay $0x3  }
.LBB2_2:
0x4e: {  	s31 =	sand.u32 $0x1, s28  }
0x4f: {  	p0 =	seq.s32 s31, $0x1  }
.Ltmp4:
0x50: {  	_ = 	snop;
	(pc) =	sbr.rel @p0 .LBB2_12-.Ltmp4, $3  }
0x51: {  	_ =	sdelay $0x1  }
0x52: {  	s30 =	sadd.s32 s7, s28  }
0x53: {  	s29 =	sshrl.u32 s30, $0x3  }
0x54: {  	s0 =	sshll.u32 s30, $0x7  }
0x55: {  	s6 =	sshll.u32 s30, $0x4;
	s2 =	sand.u32 $0x300, s0  }
0x56: {  	s20 =	sshll.u32 s30, $0x1;
	s14 =	sand.u32 $0xFFFFC00, s6;
	s8 =	sadd.s32 s2, s9  }
0x57: {  	s6 =	sand.u32 $0x70, s20;
	s0 =	sadd.s32 s14, s8  }
0x58: {  	s4 =	simm.s32 $0x0;
	s0 =	sadd.s32 s6, s0  }
0x59: {  	[tilespmem:s13], [sflag:$0x5] =	stream.linear.gather [hbm4b:s0+s4], $0x80, $0x38;
	[tilespmem:$0x10300] =	vst v63  }
0x5a: {  	_ =	swait.ge [sflag:s12], $0x80  }
0x5b: {  	[sflag:s12] =	ssyncset.done $0x0  }
0x5c: {  	s21 =	simm.s32 $0x2100;
	[sflag:s12] =	ssyncadd.s32 $0xFFFFFF80  }
0x5d: {  	[tilespmem:s21], [sflag:$0x2] =	stream.indirect.gather [hbm4b:s5+s13], $0x40, s13, s13, $0xb8;
	[tilespmem:$0x10300] =	vst v63  }
0x5e: {  	_ =	swait.ge [sflag:s23], $0x2000  }
0x5f: {  	p0 =	slt.u32 s28, $0x2;
	[sflag:s23] =	ssyncset.done $0x0  }
0x60: {  	s0 =	simm.s32 @!p0 $0x3;
	[sflag:s23] =	ssyncadd.s32 $0xFFFFE000  }
0x61: {  	_ =	swait.ge @!p0 [sflag:s0], $0x2000  }
0x62: {  	s22 =	sshll.u32 s29, $0x6;
	[sflag:s0] =	ssyncset.done @!p0 $0x0  }
0x63: {  	s25 =	sand.u32 $0x3FFFFFC0, s22;
	[sflag:s0] =	ssyncadd.s32 @!p0 $0xFFFFE000  }
0x64: {  	v10 =	vld [tilespmem:s25+$0xD100]  }
0x65: {  	s26 =	simm.s32 $0x200;
	v11 =	vld [tilespmem:s25+$0xD110]  }
0x66: {  	v12 =	vld [tilespmem:s26+$0xC0]  }
0x67: {  	v13 =	vld [tilespmem:s26+$0xFFFFFF40]  }
0x68: {  	v9 =	vld [tilespmem:s25+$0xD120]  }
0x69: {  	v14 =	vld [tilespmem:s26+$0xFFFFFF80]  }
0x6a: {  	v15 =	vld [tilespmem:s26+$0xFFFFFFC0]  }
0x6b: {  	v16 =	vld [tilespmem:s26+$0x0];
	v12 =	vmul.f32 $8.000000000e+00, v12  }
0x6c: {  	v17 =	vld [tilespmem:s26+$0x40];
	v13 =	vmul.f32 $8.000000000e+00, v13  }
0x6d: {  	v18 =	vld [tilespmem:s26+$0x80];
	v12 =	vadd.f32 v12, v10  }
0x6e: {  	s0 =	simm.s32 $0x4240;
	v19 =	vld [tilespmem:s26+$0xFFFFFF00];
	v14 =	vmul.f32 $8.000000000e+00, v14;
	v13 =	vadd.f32 v13, v10  }
0x6f: {  	v8 =	vld [tilespmem:s25+$0xD130];
	[tilespmem:s0+$0xF0] =	vst v12;
	v12 =	vmul.f32 $8.000000000e+00, v15  }
0x70: {  	v14 =	vadd.f32 v14, v10;
	[tilespmem:s0+$0xFFFFFF10] =	vst v13;
	v15 =	vmul.f32 $8.000000000e+00, v16;
	v13 =	vld [tilespmem:s26+$0xD0]  }
0x71: {  	v17 =	vmul.f32 $8.000000000e+00, v17;
	v16 =	vld [tilespmem:s26+$0xFFFFFF50];
	v12 =	vadd.f32 v12, v10  }
0x72: {  	[tilespmem:s0+$0xFFFFFF60] =	vst v14;
	v14 =	vadd.f32 v15, v10;
	v15 =	vmul.f32 $8.000000000e+00, v18  }
0x73: {  	v18 =	vmul.f32 $8.000000000e+00, v19;
	v19 =	vld [tilespmem:s26+$0xFFFFFF90];
	[tilespmem:s0+$0xFFFFFFB0] =	vst v12;
	v12 =	vadd.f32 v17, v10  }
0x74: {  	[tilespmem:s0+$0x0] =	vst v14;
	v14 =	vadd.f32 v15, v10;
	v17 =	vld [tilespmem:s26+$0xFFFFFFD0]  }
0x75: {  	v15 =	vadd.f32 v18, v10;
	v18 =	vld [tilespmem:s26+$0x10];
	v13 =	vmul.f32 $8.000000000e+00, v13;
	[tilespmem:s0+$0x50] =	vst v12  }
0x76: {  	v12 =	vmul.f32 $8.000000000e+00, v16;
	[tilespmem:s0+$0xA0] =	vst v14;
	v16 =	vld [tilespmem:s26+$0x50]  }
0x77: {  	[tilespmem:s0+$0xFFFFFEC0] =	vst v15;
	v14 =	vld [tilespmem:s26+$0x90];
	v13 =	vadd.f32 v13, v11  }
0x78: {  	v15 =	vld [tilespmem:s26+$0xFFFFFF10];
	v19 =	vmul.f32 $8.000000000e+00, v19;
	v12 =	vadd.f32 v12, v11  }
0x79: {  	[tilespmem:s0+$0x100] =	vst v13;
	v13 =	vmul.f32 $8.000000000e+00, v17  }
0x7a: {  	[tilespmem:s0+$0xFFFFFF20] =	vst v12;
	v17 =	vadd.f32 v19, v11;
	v18 =	vmul.f32 $8.000000000e+00, v18;
	v12 =	vld [tilespmem:s26+$0xE0]  }
0x7b: {  	v19 =	vld [tilespmem:s26+$0xFFFFFF60];
	v13 =	vadd.f32 v13, v11;
	v16 =	vmul.f32 $8.000000000e+00, v16  }
0x7c: {  	[tilespmem:s0+$0xFFFFFF70] =	vst v17;
	v17 =	vadd.f32 v18, v11;
	v14 =	vmul.f32 $8.000000000e+00, v14  }
0x7d: {  	v15 =	vmul.f32 $8.000000000e+00, v15;
	v18 =	vld [tilespmem:s26+$0xFFFFFFA0];
	[tilespmem:s0+$0xFFFFFFC0] =	vst v13;
	v13 =	vadd.f32 v16, v11  }
0x7e: {  	[tilespmem:s0+$0x10] =	vst v17;
	v14 =	vadd.f32 v14, v11;
	v16 =	vld [tilespmem:s26+$0xFFFFFFE0]  }
0x7f: {  	v15 =	vadd.f32 v15, v11;
	v17 =	vld [tilespmem:s26+$0x20];
	v12 =	vmul.f32 $8.000000000e+00, v12;
	[tilespmem:s0+$0x60] =	vst v13  }
0x80: {  	v13 =	vmul.f32 $8.000000000e+00, v19;
	[tilespmem:s0+$0xB0] =	vst v14;
	v19 =	vld [tilespmem:s26+$0x60]  }
0x81: {  	[tilespmem:s0+$0xFFFFFED0] =	vst v15;
	v14 =	vld [tilespmem:s26+$0xA0];
	v12 =	vadd.f32 v12, v9  }
0x82: {  	s11 =	simm.s32 $0x400;
	v15 =	vld [tilespmem:s26+$0xFFFFFF20];
	v13 =	vadd.f32 v13, v9;
	v18 =	vmul.f32 $8.000000000e+00, v18  }
0x83: {  	v20 =	vld [tilespmem:s11+$0xC0];
	[tilespmem:s0+$0x110] =	vst v12;
	v12 =	vmul.f32 $8.000000000e+00, v16  }
0x84: {  	[tilespmem:s0+$0xFFFFFF30] =	vst v13;
	v16 =	vadd.f32 v18, v9;
	v17 =	vmul.f32 $8.000000000e+00, v17;
	v13 =	vld [tilespmem:s26+$0xF0]  }
0x85: {  	v18 =	vld [tilespmem:s26+$0xFFFFFF70];
	v12 =	vadd.f32 v12, v9;
	v19 =	vmul.f32 $8.000000000e+00, v19  }
0x86: {  	[tilespmem:s0+$0xFFFFFF80] =	vst v16;
	v16 =	vadd.f32 v17, v9;
	v14 =	vmul.f32 $8.000000000e+00, v14;
	v17 =	vld [tilespmem:s11+$0xFFFFFF40]  }
0x87: {  	v15 =	vmul.f32 $8.000000000e+00, v15;
	[tilespmem:s0+$0xFFFFFFD0] =	vst v12;
	v12 =	vadd.f32 v19, v9;
	v19 =	vld [tilespmem:s11+$0xFFFFFF80]  }
0x88: {  	v20 =	vmul.f32 $8.000000000e+00, v20;
	[tilespmem:s0+$0x20] =	vst v16;
	v14 =	vadd.f32 v14, v9;
	v16 =	vld [tilespmem:s11+$0xFFFFFFC0]  }
0x89: {  	v15 =	vadd.f32 v15, v9;
	v13 =	vmul.f32 $8.000000000e+00, v13;
	[tilespmem:s0+$0x70] =	vst v12;
	v12 =	vld [tilespmem:s11+$0x0]  }
0x8a: {  	v20 =	vadd.f32 v20, v10;
	v18 =	vmul.f32 $8.000000000e+00, v18;
	[tilespmem:s0+$0xC0] =	vst v14;
	v14 =	vld [tilespmem:s11+$0x40]  }
0x8b: {  	s6 =	simm.s32 $0x44C0;
	[tilespmem:s0+$0xFFFFFEE0] =	vst v15;
	v15 =	vmul.f32 $8.000000000e+00, v17;
	v17 =	vld [tilespmem:s11+$0x80];
	v13 =	vadd.f32 v13, v8  }
0x8c: {  	v21 =	vld [tilespmem:s11+$0xFFFFFF00];
	[tilespmem:s6+$0xF0] =	vst v20;
	v18 =	vadd.f32 v18, v8;
	v19 =	vmul.f32 $8.000000000e+00, v19  }
0x8d: {  	[tilespmem:s0+$0x120] =	vst v13;
	v13 =	vadd.f32 v15, v10;
	v15 =	vmul.f32 $8.000000000e+00, v16;
	v16 =	vld [tilespmem:s26+$0xFFFFFF30]  }
0x8e: {  	[tilespmem:s0+$0xFFFFFF40] =	vst v18;
	v18 =	vadd.f32 v19, v10;
	v12 =	vmul.f32 $8.000000000e+00, v12;
	v19 =	vld [tilespmem:s26+$0xFFFFFFB0]  }
0x8f: {  	v14 =	vmul.f32 $8.000000000e+00, v14;
	[tilespmem:s6+$0xFFFFFF10] =	vst v13;
	v13 =	vadd.f32 v15, v10;
	v15 =	vld [tilespmem:s11+$0xD0]  }
0x90: {  	v17 =	vmul.f32 $8.000000000e+00, v17;
	v20 =	vld [tilespmem:s11+$0xFFFFFF50];
	[tilespmem:s6+$0xFFFFFF60] =	vst v18;
	v12 =	vadd.f32 v12, v10  }
0x91: {  	v18 =	vmul.f32 $8.000000000e+00, v21;
	v21 =	vld [tilespmem:s11+$0xFFFFFF90];
	[tilespmem:s6+$0xFFFFFFB0] =	vst v13;
	v13 =	vadd.f32 v14, v10  }
0x92: {  	v14 =	vld [tilespmem:s11+$0xFFFFFFD0];
	[tilespmem:s6+$0x0] =	vst v12;
	v12 =	vadd.f32 v17, v10;
	v16 =	vmul.f32 $8.000000000e+00, v16  }
0x93: {  	v17 =	vadd.f32 v18, v10;
	v18 =	vld [tilespmem:s11+$0x10];
	[tilespmem:s6+$0x50] =	vst v13;
	v13 =	vmul.f32 $8.000000000e+00, v19  }
0x94: {  	v19 =	vld [tilespmem:s11+$0x50];
	[tilespmem:s6+$0xA0] =	vst v12;
	v12 =	vmul.f32 $8.000000000e+00, v15;
	v15 =	vadd.f32 v16, v8  }
0x95: {  	[tilespmem:s6+$0xFFFFFEC0] =	vst v17;
	v16 =	vmul.f32 $8.000000000e+00, v20;
	v17 =	vld [tilespmem:s11+$0x90];
	v13 =	vadd.f32 v13, v8  }
0x96: {  	v20 =	vld [tilespmem:s11+$0xFFFFFF10];
	v21 =	vmul.f32 $8.000000000e+00, v21;
	v12 =	vadd.f32 v12, v11;
	[tilespmem:s0+$0xFFFFFEF0] =	vst v15  }
0x97: {  	v15 =	vadd.f32 v16, v11;
	v14 =	vmul.f32 $8.000000000e+00, v14;
	[tilespmem:s0+$0xFFFFFF90] =	vst v13;
	v13 =	vld [tilespmem:s26+$0xFFFFFFF0]  }
0x98: {  	v16 =	vadd.f32 v21, v11;
	v18 =	vmul.f32 $8.000000000e+00, v18;
	[tilespmem:s6+$0x100] =	vst v12;
	v12 =	vld [tilespmem:s26+$0x30]  }
0x99: {  	[tilespmem:s6+$0xFFFFFF20] =	vst v15;
	v14 =	vadd.f32 v14, v11;
	v15 =	vmul.f32 $8.000000000e+00, v19;
	v19 =	vld [tilespmem:s11+$0xE0]  }
0x9a: {  	v21 =	vld [tilespmem:s11+$0xFFFFFF60];
	[tilespmem:s6+$0xFFFFFF70] =	vst v16;
	v16 =	vadd.f32 v18, v11;
	v17 =	vmul.f32 $8.000000000e+00, v17  }
0x9b: {  	v18 =	vmul.f32 $8.000000000e+00, v20;
	v20 =	vld [tilespmem:s11+$0xFFFFFFA0];
	[tilespmem:s6+$0xFFFFFFC0] =	vst v14;
	v14 =	vadd.f32 v15, v11  }
0x9c: {  	v22 =	vld [tilespmem:s11+$0xFFFFFFE0];
	[tilespmem:s6+$0x10] =	vst v16;
	v15 =	vadd.f32 v17, v11;
	v13 =	vmul.f32 $8.000000000e+00, v13  }
0x9d: {  	v16 =	vadd.f32 v18, v11;
	v17 =	vld [tilespmem:s11+$0x20];
	[tilespmem:s6+$0x60] =	vst v14;
	v12 =	vmul.f32 $8.000000000e+00, v12  }
0x9e: {  	v14 =	vld [tilespmem:s11+$0x60];
	[tilespmem:s6+$0xB0] =	vst v15;
	v18 =	vmul.f32 $8.000000000e+00, v19;
	v13 =	vadd.f32 v13, v8  }
0x9f: {  	[tilespmem:s6+$0xFFFFFED0] =	vst v16;
	v16 =	vmul.f32 $8.000000000e+00, v21;
	v19 =	vld [tilespmem:s11+$0xA0];
	v12 =	vadd.f32 v12, v8  }
0xa0: {  	v15 =	vld [tilespmem:s11+$0xFFFFFF20];
	v20 =	vmul.f32 $8.000000000e+00, v20;
	v18 =	vadd.f32 v18, v9;
	[tilespmem:s0+$0xFFFFFFE0] =	vst v13  }
0xa1: {  	v16 =	vadd.f32 v16, v9;
	v21 =	vmul.f32 $8.000000000e+00, v22;
	[tilespmem:s0+$0x30] =	vst v12;
	v12 =	vld [tilespmem:s26+$0x70]  }
0xa2: {  	v13 =	vld [tilespmem:s26+$0xB0];
	v20 =	vadd.f32 v20, v9;
	v22 =	vmul.f32 $8.000000000e+00, v17;
	[tilespmem:s6+$0x110] =	vst v18  }
0xa3: {  	[tilespmem:s6+$0xFFFFFF30] =	vst v16;
	v17 =	vadd.f32 v21, v9;
	v16 =	vld [tilespmem:s11+$0xF0];
	v18 =	vmul.f32 $8.000000000e+00, v14  }
0xa4: {  	s10 =	simm.s32 $0x600;
	s8 =	simm.s32 $0x8;
	v14 =	vld [tilespmem:s11+$0xFFFFFF70];
	[tilespmem:s6+$0xFFFFFF80] =	vst v20;
	v20 =	vadd.f32 v22, v9;
	v19 =	vmul.f32 $8.000000000e+00, v19  }
.LBB2_4:
0xa5: {  	v21 =	vld [tilespmem:s10+$0xC0];
	s8 =	sadd.s32 $0x8, s8;
	v15 =	vmul.f32 $8.000000000e+00, v15;
	[tilespmem:s6+$0xFFFFFFD0] =	vst v17;
	v17 =	vadd.f32 v18, v9  }
0xa6: {  	v18 =	vld [tilespmem:s10+$0xFFFFFF40];
	p0 =	slt.u32 s8, $0x78;
	[tilespmem:s6+$0x20] =	vst v20;
	v19 =	vadd.f32 v19, v9;
	v12 =	vmul.f32 $8.000000000e+00, v12  }
0xa7: {  	v20 =	vld [tilespmem:s10+$0xFFFFFF80];
	v15 =	vadd.f32 v15, v9;
	[tilespmem:s6+$0x70] =	vst v17;
	v13 =	vmul.f32 $8.000000000e+00, v13  }
0xa8: {  	v17 =	vld [tilespmem:s10+$0xFFFFFFC0];
	[tilespmem:s6+$0xC0] =	vst v19;
	v16 =	vmul.f32 $8.000000000e+00, v16;
	v12 =	vadd.f32 v12, v8  }
0xa9: {  	v19 =	vld [tilespmem:s10+$0x0];
	[tilespmem:s6+$0xFFFFFEE0] =	vst v15;
	v14 =	vmul.f32 $8.000000000e+00, v14;
	v13 =	vadd.f32 v13, v8  }
0xaa: {  	v15 =	vld [tilespmem:s10+$0x40];
	v21 =	vmul.f32 $8.000000000e+00, v21;
	v16 =	vadd.f32 v16, v8;
	[tilespmem:s0+$0x80] =	vst v12  }
0xab: {  	v12 =	vmul.f32 $8.000000000e+00, v18;
	v18 =	vld [tilespmem:s10+$0x80];
	v14 =	vadd.f32 v14, v8;
	[tilespmem:s0+$0xD0] =	vst v13;
	s0 =	smov.u32 s6  }
0xac: {  	v13 =	vld [tilespmem:s10+$0xFFFFFF00];
	v20 =	vmul.f32 $8.000000000e+00, v20;
	v21 =	vadd.f32 v21, v10;
	[tilespmem:s6+$0x120] =	vst v16  }
0xad: {  	s6 =	sadd.s32 $0x280, s6;
	v12 =	vadd.f32 v12, v10;
	v16 =	vmul.f32 $8.000000000e+00, v17;
	v17 =	vld [tilespmem:s11+$0xFFFFFF30];
	[tilespmem:s0+$0xFFFFFF40] =	vst v14  }
0xae: {  	v14 =	vadd.f32 v20, v10;
	v19 =	vmul.f32 $8.000000000e+00, v19;
	[tilespmem:s6+$0xF0] =	vst v21;
	v20 =	vld [tilespmem:s11+$0xFFFFFFB0]  }
0xaf: {  	[tilespmem:s6+$0xFFFFFF10] =	vst v12;
	v12 =	vadd.f32 v16, v10;
	v15 =	vmul.f32 $8.000000000e+00, v15;
	v16 =	vld [tilespmem:s10+$0xD0]  }
0xb0: {  	v21 =	vld [tilespmem:s10+$0xFFFFFF50];
	[tilespmem:s6+$0xFFFFFF60] =	vst v14;
	v14 =	vadd.f32 v19, v10;
	v18 =	vmul.f32 $8.000000000e+00, v18  }
0xb1: {  	v13 =	vmul.f32 $8.000000000e+00, v13;
	v19 =	vld [tilespmem:s10+$0xFFFFFF90];
	[tilespmem:s6+$0xFFFFFFB0] =	vst v12;
	v12 =	vadd.f32 v15, v10  }
0xb2: {  	v15 =	vld [tilespmem:s10+$0xFFFFFFD0];
	[tilespmem:s6+$0x0] =	vst v14;
	v14 =	vadd.f32 v18, v10;
	v17 =	vmul.f32 $8.000000000e+00, v17  }
0xb3: {  	v13 =	vadd.f32 v13, v10;
	v18 =	vld [tilespmem:s10+$0x10];
	[tilespmem:s6+$0x50] =	vst v12;
	v12 =	vmul.f32 $8.000000000e+00, v20  }
0xb4: {  	v20 =	vld [tilespmem:s10+$0x50];
	[tilespmem:s6+$0xA0] =	vst v14;
	v14 =	vmul.f32 $8.000000000e+00, v16;
	v16 =	vadd.f32 v17, v8  }
0xb5: {  	[tilespmem:s6+$0xFFFFFEC0] =	vst v13;
	v13 =	vmul.f32 $8.000000000e+00, v21;
	v17 =	vld [tilespmem:s10+$0x90];
	v12 =	vadd.f32 v12, v8  }
0xb6: {  	v21 =	vld [tilespmem:s10+$0xFFFFFF10];
	v19 =	vmul.f32 $8.000000000e+00, v19;
	v14 =	vadd.f32 v14, v11;
	[tilespmem:s0+$0xFFFFFEF0] =	vst v16  }
0xb7: {  	v13 =	vadd.f32 v13, v11;
	v15 =	vmul.f32 $8.000000000e+00, v15;
	[tilespmem:s0+$0xFFFFFF90] =	vst v12;
	v12 =	vld [tilespmem:s11+$0xFFFFFFF0]  }
0xb8: {  	v16 =	vadd.f32 v19, v11;
	v18 =	vmul.f32 $8.000000000e+00, v18;
	[tilespmem:s6+$0x100] =	vst v14;
	v14 =	vld [tilespmem:s11+$0x30]  }
0xb9: {  	[tilespmem:s6+$0xFFFFFF20] =	vst v13;
	v13 =	vadd.f32 v15, v11;
	v15 =	vmul.f32 $8.000000000e+00, v20;
	v19 =	vld [tilespmem:s10+$0xE0]  }
0xba: {  	v20 =	vld [tilespmem:s10+$0xFFFFFF60];
	[tilespmem:s6+$0xFFFFFF70] =	vst v16;
	v16 =	vadd.f32 v18, v11;
	v17 =	vmul.f32 $8.000000000e+00, v17  }
0xbb: {  	v18 =	vmul.f32 $8.000000000e+00, v21;
	v21 =	vld [tilespmem:s10+$0xFFFFFFA0];
	[tilespmem:s6+$0xFFFFFFC0] =	vst v13;
	v13 =	vadd.f32 v15, v11  }
0xbc: {  	v22 =	vld [tilespmem:s10+$0xFFFFFFE0];
	[tilespmem:s6+$0x10] =	vst v16;
	v15 =	vadd.f32 v17, v11;
	v12 =	vmul.f32 $8.000000000e+00, v12  }
0xbd: {  	v16 =	vadd.f32 v18, v11;
	v17 =	vld [tilespmem:s10+$0x20];
	[tilespmem:s6+$0x60] =	vst v13;
	v13 =	vmul.f32 $8.000000000e+00, v14  }
0xbe: {  	v14 =	vld [tilespmem:s10+$0x60];
	[tilespmem:s6+$0xB0] =	vst v15;
	v18 =	vmul.f32 $8.000000000e+00, v19;
	v12 =	vadd.f32 v12, v8  }
0xbf: {  	[tilespmem:s6+$0xFFFFFED0] =	vst v16;
	v16 =	vmul.f32 $8.000000000e+00, v20;
	v19 =	vld [tilespmem:s10+$0xA0];
	v13 =	vadd.f32 v13, v8  }
.Ltmp5:
0xc0: {  	v15 =	vld [tilespmem:s10+$0xFFFFFF20];
	v20 =	vmul.f32 $8.000000000e+00, v21;
	v18 =	vadd.f32 v18, v9;
	[tilespmem:s0+$0xFFFFFFE0] =	vst v12;
	(pc) =	sbr.rel @p0 .LBB2_4-.Ltmp5, $4  }
0xc1: {  	v16 =	vadd.f32 v16, v9;
	v21 =	vmul.f32 $8.000000000e+00, v22;
	[tilespmem:s0+$0x30] =	vst v13;
	v12 =	vld [tilespmem:s11+$0x70]  }
0xc2: {  	v20 =	vadd.f32 v20, v9;
	v22 =	vmul.f32 $8.000000000e+00, v17;
	[tilespmem:s6+$0x110] =	vst v18;
	v13 =	vld [tilespmem:s11+$0xB0];
	s11 =	smov.u32 s10  }
0xc3: {  	[tilespmem:s6+$0xFFFFFF30] =	vst v16;
	v17 =	vadd.f32 v21, v9;
	v18 =	vmul.f32 $8.000000000e+00, v14;
	v16 =	vld [tilespmem:s10+$0xF0]  }
0xc4: {  	s10 =	sadd.s32 $0x200, s10;
	v14 =	vld [tilespmem:s11+$0xFFFFFF70];
	[tilespmem:s6+$0xFFFFFF80] =	vst v20;
	v20 =	vadd.f32 v22, v9;
	v19 =	vmul.f32 $8.000000000e+00, v19  }
0xc5: {  	v10 =	vmul.f32 $8.000000000e+00, v15;
	[tilespmem:s6+$0xFFFFFFD0] =	vst v17;
	v11 =	vld [tilespmem:s11+$0xFFFFFFB0];
	v15 =	vadd.f32 v18, v9  }
0xc6: {  	[tilespmem:s6+$0x20] =	vst v20;
	v17 =	vld [tilespmem:s11+$0xFFFFFFF0];
	v48 =	vadd.f32 v19, v9  }
0xc7: {  	v12 =	vmul.f32 $8.000000000e+00, v12;
	v10 =	vadd.f32 v10, v9;
	v18 =	vld [tilespmem:s11+$0x30];
	[tilespmem:s6+$0x70] =	vst v15  }
0xc8: {  	v13 =	vmul.f32 $8.000000000e+00, v13;
	[tilespmem:s6+$0xC0] =	vst v48;
	v15 =	vld [tilespmem:s11+$0x70]  }
0xc9: {  	v49 =	vmul.f32 $8.000000000e+00, v16;
	v12 =	vadd.f32 v12, v8;
	[tilespmem:s6+$0xFFFFFEE0] =	vst v10;
	v16 =	vld [tilespmem:s11+$0xB0]  }
0xca: {  	v14 =	vmul.f32 $8.000000000e+00, v14;
	v13 =	vadd.f32 v13, v8;
	v10 =	vld [tilespmem:s11+$0xFFFFFF30]  }
0xcb: {  	s8 =	simm.s32 $0x0;
	v9 =	vadd.f32 v49, v8;
	[tilespmem:s0+$0x80] =	vst v12;
	v11 =	vmul.f32 $8.000000000e+00, v11;
	v12 =	vmul.f32 $8.000000000e+00, v17  }
0xcc: {  	v53 =	vmov s8;
	v14 =	vadd.f32 v14, v8;
	[tilespmem:s0+$0xD0] =	vst v13;
	v13 =	vmul.f32 $8.000000000e+00, v18  }
0xcd: {  	s10 =	simm.s32 $0x1;
	s11 =	simm.s32 $0x2;
	[tilespmem:s6+$0x120] =	vst v9;
	v50 =	vadd.f32 v11, v8;
	v51 =	vadd.f32 v12, v8;
	v12 =	vmul.f32 $8.000000000e+00, v15  }
0xce: {  	[tilespmem:s6+$0xFFFFFF40] =	vst v14;
	v14 =	vmov s10;
	v15 =	vmov s11;
	v13 =	vadd.f32 v13, v8  }
0xcf: {  	v52 =	vmul.f32 $8.000000000e+00, v16;
	v14 =	vand.u32 $0x3D, v14;
	[tilespmem:s6+$0xFFFFFF90] =	vst v50;
	v10 =	vmul.f32 $8.000000000e+00, v10  }
0xd0: {  	v15 =	vand.u32 $0x3E, v15;
	v16 =	vadd.s32 v0, v14;
	[tilespmem:s6+$0xFFFFFFE0] =	vst v51;
	v54 =	vadd.f32 v12, v8  }
0xd1: {  	v12 =	vand.u32 $0x3C, v53;
	v55 =	vadd.s32 v0, v15;
	[tilespmem:s6+$0x30] =	vst v13;
	v10 =	vadd.f32 v10, v8  }
0xd2: {  	s14 =	simm.s32 $0x3;
	v56 =	vadd.s32 v0, v12;
	v8 =	vadd.f32 v52, v8;
	[tilespmem:s6+$0x80] =	vst v54  }
0xd3: {  	v57 =	vmov s14;
	[tilespmem:s6+$0xFFFFFEF0] =	vst v10  }
0xd4: {  	v13 =	vand.u32 $0x3F, v57;
	[tilespmem:s6+$0xD0] =	vst v8  }
0xd5: {  	v8 =	vadd.s32 v0, v13;
	v58 =	vld.idx.msk [tilespmem:v16+s24+$0x0], $0xffff  }
0xd6: {  	s20 =	simm.s32 $0x0;
	v9 =	vld.idx.msk [tilespmem:v55+s24+$0x0], $0xffff;
	v16 =	vadd.s32 v1, v14  }
0xd7: {  	s21 =	simm.s32 $0x80;
	s0 =	sand.u32 $0x1C00, s20;
	v17 =	vadd.s32 v1, v15;
	v10 =	vld.idx.msk [tilespmem:v56+s24+$0x0], $0xffff  }
0xd8: {  	s22 =	simm.s32 $0x100;
	s0 =	sadd.s32 $0x9100, s0;
	v18 =	vadd.s32 v1, v12;
	s6 =	sand.u32 $0x280, s21  }
0xd9: {  	s25 =	sand.u32 $0x300, s22;
	s21 =	sor.u32 s6, s0  }
0xda: {  	s22 =	sadd.s32 s25, s0;
	v8 =	vld.idx.msk [tilespmem:v8+s24+$0x0], $0xffff;
	[tilespmem:s21+$0x0] =	vst v58  }
0xdb: {  	s10 =	simm.s32 $0x9140;
	v60 =	vadd.s32 v1, v13;
	[tilespmem:s22+$0x0] =	vst v9;
	v59 =	vld.idx.msk [tilespmem:v16+s24+$0x0], $0xffff  }
0xdc: {  	s26 =	simm.s32 $0x180;
	[tilespmem:s10+$0xFFFFFFC0] =	vst v10;
	v61 =	vld.idx.msk [tilespmem:v17+s24+$0x0], $0xffff;
	v16 =	vadd.s32 v2, v14  }
0xdd: {  	s6 =	sand.u32 $0x380, s26;
	v17 =	vld.idx.msk [tilespmem:v18+s24+$0x0], $0xffff;
	v18 =	vadd.s32 v2, v15  }
0xde: {  	v19 =	vadd.s32 v2, v12;
	s8 =	sadd.s32 s6, s0  }
0xdf: {  	[tilespmem:s8+$0x0] =	vst v8  }
0xe0: {  	v8 =	vld.idx.msk [tilespmem:v60+s24+$0x0], $0xffff;
	[tilespmem:s21+$0x10] =	vst v59  }
0xe1: {  	v62 =	vadd.s32 v2, v13;
	[tilespmem:s22+$0x10] =	vst v61;
	v9 =	vld.idx.msk [tilespmem:v16+s24+$0x0], $0xffff  }
0xe2: {  	[tilespmem:s10+$0xFFFFFFD0] =	vst v17;
	v63 =	vld.idx.msk [tilespmem:v18+s24+$0x0], $0xffff;
	v16 =	vadd.s32 v3, v14  }
0xe3: {  	p1 =	por $0x1, $0x1;
	v18 =	vadd.s32 v3, v15;
	v17 =	vld.idx.msk [tilespmem:v19+s24+$0x0], $0xffff  }
.Ltmp6:
0xe4: {  	_ = 	snop;
	(pc) =	sbr.rel @!p1 .LBB2_6-.Ltmp6, $4  }
0xe5: {  	[tilespmem:s8+$0x10] =	vst v8  }
0xe6: {  	v22 =	vld.idx.msk [tilespmem:v62+s24+$0x0], $0xffff;
	[tilespmem:s21+$0x20] =	vst v9  }
0xe7: {  	v26 =	vadd.s32 v4, v14;
	[tilespmem:s22+$0x20] =	vst v63;
	v19 =	vld.idx.msk [tilespmem:v16+s24+$0x0], $0xffff  }
0xe8: {  	p0 =	por $0x0, $0x0;
	v25 =	vadd.s32 v3, v12;
	v24 =	vadd.s32 v3, v13;
	s0 =	simm.s32 $0x4;
	[tilespmem:s10+$0xFFFFFFE0] =	vst v17;
	v20 =	vld.idx.msk [tilespmem:v18+s24+$0x0], $0xffff  }
0xe9: {  	_ =	sdelay $0x3  }
0xea: {  	v8 =	vmov s0;
	s4 =	simm.s32 $0x5;
	v11 =	vadd.s32 v4, v15;
	v17 =	vld.idx.msk [tilespmem:v25+s24+$0x0], $0xffff  }
0xeb: {  	s6 =	simm.s32 $0x6;
	v21 =	vadd.s32 v4, v12;
	v9 =	vand.u32 $0x3C, v8;
	v8 =	vmov s4  }
0xec: {  	v10 =	vmov s6;
	v16 =	vadd.s32 v0, v9;
	v8 =	vand.u32 $0x3D, v8;
	[tilespmem:s8+$0x20] =	vst v22  }
0xed: {  	v10 =	vand.u32 $0x3E, v10;
	v18 =	vadd.s32 v0, v8;
	[tilespmem:s21+$0x30] =	vst v19;
	v19 =	vld.idx.msk [tilespmem:v24+s24+$0x0], $0xffff  }
0xee: {  	s11 =	simm.s32 $0x7;
	v22 =	vadd.s32 v0, v10;
	v23 =	vld.idx.msk [tilespmem:v26+s24+$0x0], $0xffff;
	[tilespmem:s22+$0x30] =	vst v20  }
0xef: {  	v25 =	vadd.s32 v4, v13;
	v20 =	vmov s11;
	v24 =	vld.idx.msk [tilespmem:v11+s24+$0x0], $0xffff;
	[tilespmem:s10+$0xFFFFFFF0] =	vst v17  }
0xf0: {  	v11 =	vand.u32 $0x3F, v20;
	v20 =	vadd.s32 v5, v14;
	v17 =	vld.idx.msk [tilespmem:v21+s24+$0x0], $0xffff  }
0xf1: {  	v26 =	vadd.s32 v0, v11;
	v16 =	vld.idx.msk [tilespmem:v16+s24+$0x0], $0xffff  }
0xf2: {  	v21 =	vadd.s32 v5, v15;
	v18 =	vld.idx.msk [tilespmem:v18+s24+$0x0], $0xffff;
	[tilespmem:s8+$0x30] =	vst v19  }
0xf3: {  	s14 =	simm.s32 $0x200;
	v27 =	vadd.s32 v1, v9;
	v22 =	vld.idx.msk [tilespmem:v22+s24+$0x0], $0xffff;
	[tilespmem:s21+$0x40] =	vst v23  }
0xf4: {  	s0 =	sand.u32 $0x1C00, s14;
	s6 =	simm.s32 $0x280;
	v19 =	vadd.s32 v5, v12;
	v23 =	vld.idx.msk [tilespmem:v25+s24+$0x0], $0xffff;
	[tilespmem:s22+$0x40] =	vst v24  }
0xf5: {  	s14 =	simm.s32 $0x9340;
	s6 =	sand.u32 $0x280, s6;
	s25 =	sadd.s32 $0x9100, s0;
	v25 =	vadd.s32 v1, v8;
	v20 =	vld.idx.msk [tilespmem:v20+s24+$0x0], $0xffff;
	[tilespmem:s10+$0x0] =	vst v17  }
0xf6: {  	s20 =	simm.s32 $0x300;
	s0 =	sor.u32 s6, s25;
	v24 =	vld.idx.msk [tilespmem:v26+s24+$0x0], $0xffff;
	v17 =	vadd.s32 v6, v14;
	[tilespmem:s14+$0xFFFFFFC0] =	vst v16  }
0xf7: {  	s6 =	sand.u32 $0x300, s20;
	v16 =	vadd.s32 v1, v10;
	[tilespmem:s0+$0x0] =	vst v18;
	v18 =	vld.idx.msk [tilespmem:v21+s24+$0x0], $0xffff  }
0xf8: {  	s11 =	sadd.s32 s6, s25;
	v21 =	vadd.s32 v5, v13;
	v26 =	vld.idx.msk [tilespmem:v27+s24+$0x0], $0xffff  }
0xf9: {  	s20 =	simm.s32 $0x380;
	[tilespmem:s11+$0x0] =	vst v22;
	v19 =	vld.idx.msk [tilespmem:v19+s24+$0x0], $0xffff;
	v27 =	vadd.s32 v1, v11  }
0xfa: {  	s26 =	sand.u32 $0x380, s20;
	v22 =	vadd.s32 v6, v15;
	v25 =	vld.idx.msk [tilespmem:v25+s24+$0x0], $0xffff;
	[tilespmem:s21+$0x50] =	vst v20  }
0xfb: {  	s6 =	sadd.s32 s26, s25;
	[tilespmem:s8+$0x40] =	vst v23;
	v23 =	vadd.s32 v2, v9;
	v17 =	vld.idx.msk [tilespmem:v17+s24+$0x0], $0xffff  }
0xfc: {  	v20 =	vadd.s32 v2, v8;
	[tilespmem:s6+$0x0] =	vst v24;
	v16 =	vld.idx.msk [tilespmem:v16+s24+$0x0], $0xffff  }
0xfd: {  	v14 =	vadd.s32 v7, v14;
	v21 =	vld.idx.msk [tilespmem:v21+s24+$0x0], $0xffff;
	[tilespmem:s22+$0x50] =	vst v18  }
0xfe: {  	v24 =	vadd.s32 v2, v10;
	[tilespmem:s14+$0xFFFFFFD0] =	vst v26;
	v27 =	vld.idx.msk [tilespmem:v27+s24+$0x0], $0xffff  }
0xff: {  	[tilespmem:s10+$0x10] =	vst v19;
	v18 =	vld.idx.msk [tilespmem:v22+s24+$0x0], $0xffff;
	v22 =	vadd.s32 v6, v13  }
0x100: {  	v26 =	vadd.s32 v6, v12;
	v19 =	vld.idx.msk [tilespmem:v23+s24+$0x0], $0xffff;
	[tilespmem:s0+$0x10] =	vst v25  }
0x101: {  	v23 =	vadd.s32 v2, v11;
	v20 =	vld.idx.msk [tilespmem:v20+s24+$0x0], $0xffff;
	[tilespmem:s21+$0x60] =	vst v17  }
0x102: {  	v15 =	vadd.s32 v7, v15;
	[tilespmem:s11+$0x10] =	vst v16;
	v16 =	vld.idx.msk [tilespmem:v14+s24+$0x0], $0xffff  }
0x103: {  	v25 =	vadd.s32 v3, v8;
	v24 =	vld.idx.msk [tilespmem:v24+s24+$0x0], $0xffff;
	[tilespmem:s8+$0x50] =	vst v21  }
0x104: {  	p1 =	por $0x1, $0x1;
	v29 =	vadd.s32 v3, v10;
	[tilespmem:s6+$0x10] =	vst v27;
	v28 =	vld.idx.msk [tilespmem:v22+s24+$0x0], $0xffff  }
.Ltmp7:
0x105: {  	v21 =	vld.idx.msk [tilespmem:v26+s24+$0x0], $0xffff;
	[tilespmem:s22+$0x60] =	vst v18;
	(pc) =	sbr.rel @!p1 .LBB2_8-.Ltmp7, $4  }
0x106: {  	[tilespmem:s14+$0xFFFFFFE0] =	vst v19;
	v22 =	vld.idx.msk [tilespmem:v23+s24+$0x0], $0xffff;
	v23 =	vadd.s32 v7, v13  }
0x107: {  	v17 =	vadd.s32 v7, v12;
	v18 =	vld.idx.msk [tilespmem:v15+s24+$0x0], $0xffff;
	[tilespmem:s0+$0x20] =	vst v20  }
0x108: {  	v19 =	vld.idx.msk [tilespmem:v25+s24+$0x0], $0xffff;
	v25 =	vadd.s32 v3, v9;
	[tilespmem:s11+$0x20] =	vst v24  }
0x109: {  	p0 =	por $0x1, $0x1;
	s26 =	simm.s32 $0x8;
	v14 =	vadd.s32 v4, v8;
	v24 =	vadd.s32 v3, v11;
	v20 =	vld.idx.msk [tilespmem:v29+s24+$0x0], $0xffff;
	[tilespmem:s8+$0x60] =	vst v28  }
.LBB2_9:
0x10a: {  	s25 =	sadd.s32 $0x1, s26  }
0x10b: {  	v12 =	vmov s26;
	p1 =	slt.u32 s26, $0x3C;
	v13 =	vadd.s32 v4, v9;
	[tilespmem:s10+$0x20] =	vst v21;
	v15 =	vld.idx.msk [tilespmem:v23+s24+$0x0], $0xffff;
	s4 =	smov.u32 s26;
	s26 =	sadd.s32 $0x4, s26  }
0x10c: {  	v23 =	vadd.s32 v4, v10;
	v12 =	vand.u32 $0x3C, v12;
	v21 =	vmov s25;
	s25 =	sadd.s32 $0x2, s4;
	v17 =	vld.idx.msk [tilespmem:v17+s24+$0x0], $0xffff;
	[tilespmem:s22+$0x70] =	vst v18;
	s22 =	smov.u32 s11  }
0x10d: {  	s4 =	sadd.s32 $0x3, s4;
	v18 =	vadd.s32 v0, v12;
	v21 =	vand.u32 $0x3D, v21;
	v26 =	vmov s25;
	v25 =	vld.idx.msk [tilespmem:v25+s24+$0x0], $0xffff;
	[tilespmem:s21+$0x70] =	vst v16;
	s21 =	smov.u32 s0  }
0x10e: {  	v27 =	vmov s4;
	v16 =	vadd.s32 v0, v21;
	v26 =	vand.u32 $0x3E, v26;
	[tilespmem:s6+$0x20] =	vst v22  }
0x10f: {  	v22 =	vadd.s32 v4, v21;
	v27 =	vand.u32 $0x3F, v27;
	v28 =	vadd.s32 v0, v26;
	[tilespmem:s21+$0x30] =	vst v19;
	v19 =	vld.idx.msk [tilespmem:v24+s24+$0x0], $0xffff  }
0x110: {  	v24 =	vadd.s32 v0, v27;
	v29 =	vld.idx.msk [tilespmem:v14+s24+$0x0], $0xffff;
	[tilespmem:s22+$0x30] =	vst v20;
	v14 =	vmov v22  }
0x111: {  	v22 =	vadd.s32 v4, v11;
	v20 =	vld.idx.msk [tilespmem:v23+s24+$0x0], $0xffff;
	[tilespmem:s8+$0x70] =	vst v15;
	s8 =	smov.u32 s6  }
0x112: {  	v15 =	vld.idx.msk [tilespmem:v18+s24+$0x0], $0xffff;
	v18 =	vadd.s32 v5, v8;
	[tilespmem:s10+$0x30] =	vst v17;
	s10 =	smov.u32 s14  }
0x113: {  	v16 =	vld.idx.msk [tilespmem:v16+s24+$0x0], $0xffff;
	[tilespmem:s14+$0xFFFFFFF0] =	vst v25  }
0x114: {  	s20 =	sadd.s32 $0x200, s20;
	v17 =	vadd.s32 v5, v10;
	v13 =	vld.idx.msk [tilespmem:v13+s24+$0x0], $0xffff  }
0x115: {  	s0 =	sadd.s32 $0xFFFFFE80, s20;
	v23 =	vadd.s32 v1, v12;
	v25 =	vld.idx.msk [tilespmem:v28+s24+$0x0], $0xffff;
	[tilespmem:s8+$0x30] =	vst v19  }
0x116: {  	s4 =	sadd.s32 $0xFFFFFF00, s20;
	s0 =	sand.u32 $0x1C00, s0;
	v19 =	vadd.s32 v5, v9;
	[tilespmem:s21+$0x40] =	vst v29;
	v22 =	vld.idx.msk [tilespmem:v22+s24+$0x0], $0xffff  }
0x117: {  	s4 =	sand.u32 $0x280, s4;
	s6 =	sadd.s32 $0x9100, s0;
	s14 =	sadd.s32 $0x200, s14;
	v28 =	vadd.s32 v1, v21;
	v18 =	vld.idx.msk [tilespmem:v18+s24+$0x0], $0xffff;
	[tilespmem:s22+$0x40] =	vst v20  }
0x118: {  	s0 =	sor.u32 s4, s6;
	s4 =	sadd.s32 $0xFFFFFF80, s20;
	[tilespmem:s14+$0xFFFFFFC0] =	vst v15;
	v15 =	vadd.s32 v1, v26;
	v20 =	vld.idx.msk [tilespmem:v24+s24+$0x0], $0xffff  }
0x119: {  	s4 =	sand.u32 $0x300, s4;
	[tilespmem:s0+$0x0] =	vst v16;
	v16 =	vld.idx.msk [tilespmem:v17+s24+$0x0], $0xffff;
	v17 =	vadd.s32 v5, v11  }
0x11a: {  	s11 =	sadd.s32 s4, s6;
	v23 =	vld.idx.msk [tilespmem:v23+s24+$0x0], $0xffff;
	[tilespmem:s10+$0x0] =	vst v13;
	v13 =	vadd.s32 v6, v8  }
0x11b: {  	v24 =	vadd.s32 v6, v10;
	[tilespmem:s11+$0x0] =	vst v25;
	v19 =	vld.idx.msk [tilespmem:v19+s24+$0x0], $0xffff  }
0x11c: {  	s4 =	sand.u32 $0x380, s20;
	v25 =	vld.idx.msk [tilespmem:v28+s24+$0x0], $0xffff;
	v28 =	vadd.s32 v1, v27;
	[tilespmem:s8+$0x40] =	vst v22  }
0x11d: {  	s6 =	sadd.s32 s4, s6;
	v22 =	vadd.s32 v2, v12;
	v15 =	vld.idx.msk [tilespmem:v15+s24+$0x0], $0xffff;
	[tilespmem:s21+$0x50] =	vst v18  }
0x11e: {  	v18 =	vadd.s32 v2, v21;
	[tilespmem:s6+$0x0] =	vst v20;
	v17 =	vld.idx.msk [tilespmem:v17+s24+$0x0], $0xffff  }
0x11f: {  	v20 =	vadd.s32 v2, v26;
	v13 =	vld.idx.msk [tilespmem:v13+s24+$0x0], $0xffff;
	[tilespmem:s22+$0x50] =	vst v16  }
0x120: {  	v16 =	vadd.s32 v6, v9;
	[tilespmem:s14+$0xFFFFFFD0] =	vst v23;
	v23 =	vld.idx.msk [tilespmem:v24+s24+$0x0], $0xffff;
	v24 =	vadd.s32 v6, v11  }
0x121: {  	v28 =	vld.idx.msk [tilespmem:v28+s24+$0x0], $0xffff;
	[tilespmem:s10+$0x10] =	vst v19  }
0x122: {  	v19 =	vld.idx.msk [tilespmem:v22+s24+$0x0], $0xffff;
	[tilespmem:s0+$0x10] =	vst v25;
	v22 =	vadd.s32 v7, v10;
	v10 =	vmov v26  }
0x123: {  	v26 =	vld.idx.msk [tilespmem:v18+s24+$0x0], $0xffff;
	[tilespmem:s11+$0x10] =	vst v15;
	v15 =	vadd.s32 v7, v8;
	v8 =	vmov v21  }
0x124: {  	v29 =	vadd.s32 v2, v27;
	v20 =	vld.idx.msk [tilespmem:v20+s24+$0x0], $0xffff;
	[tilespmem:s8+$0x50] =	vst v17  }
0x125: {  	v30 =	vadd.s32 v3, v8;
	[tilespmem:s21+$0x60] =	vst v13;
	v13 =	vld.idx.msk [tilespmem:v24+s24+$0x0], $0xffff  }
0x126: {  	v24 =	vadd.s32 v3, v10;
	v21 =	vld.idx.msk [tilespmem:v16+s24+$0x0], $0xffff;
	[tilespmem:s22+$0x60] =	vst v23  }
.Ltmp8:
0x127: {  	v17 =	vadd.s32 v7, v9;
	v9 =	vmov v12;
	v23 =	vadd.s32 v7, v11;
	[tilespmem:s6+$0x10] =	vst v28;
	v18 =	vld.idx.msk [tilespmem:v22+s24+$0x0], $0xffff;
	(pc) =	sbr.rel @p1 .LBB2_9-.Ltmp8, $4  }
0x128: {  	v11 =	vmov v27;
	[tilespmem:s14+$0xFFFFFFE0] =	vst v19;
	v16 =	vld.idx.msk [tilespmem:v15+s24+$0x0], $0xffff  }
0x129: {  	v25 =	vadd.s32 v3, v9;
	[tilespmem:s0+$0x20] =	vst v26;
	v22 =	vld.idx.msk [tilespmem:v29+s24+$0x0], $0xffff  }
0x12a: {  	v19 =	vld.idx.msk [tilespmem:v30+s24+$0x0], $0xffff;
	[tilespmem:s11+$0x20] =	vst v20  }
0x12b: {  	v20 =	vld.idx.msk [tilespmem:v24+s24+$0x0], $0xffff;
	v24 =	vadd.s32 v3, v11;
	[tilespmem:s8+$0x60] =	vst v13  }
0x12c: {  	s20 =	smov.u32 s10;
	s26 =	smov.u32 s22;
	s25 =	smov.u32 s21  }
0x12d: {  	v12 =	vmovc v9;
	v15 =	vmovc v10;
	s22 =	smov.u32 s11;
	s21 =	smov.u32 s0;
	v26 =	vmov v14;
	v13 =	vmov v11;
	v14 =	vmov v8;
	s10 =	smov.u32 s14  }
.LBB2_11:
0x12e: {  	_ =	sdelay $0x3  }
0x12f: {  	v8 =	vadd.s32 v4, v15;
	[tilespmem:s6+$0x20] =	vst v22;
	v10 =	vld.idx.msk [tilespmem:v25+s24+$0x0], $0xffff  }
0x130: {  	v43 =	vadd.s32 v4, v12;
	v9 =	vld.idx.msk [tilespmem:v24+s24+$0x0], $0xffff  }
0x131: {  	v11 =	vadd.s32 v4, v13  }
0x132: {  	[tilespmem:s21+$0x30] =	vst v19  }
0x133: {  	[tilespmem:s22+$0x30] =	vst v20;
	v19 =	vld.idx.msk [tilespmem:v26+s24+$0x0], $0xffff  }
0x134: {  	v45 =	vadd.s32 v5, v14;
	v8 =	vld.idx.msk [tilespmem:v8+s24+$0x0], $0xffff;
	[tilespmem:s10+$0xFFFFFFF0] =	vst v10  }
0x135: {  	v44 =	vadd.s32 v5, v15;
	[tilespmem:s6+$0x30] =	vst v9;
	v47 =	vld.idx.msk [tilespmem:v43+s24+$0x0], $0xffff  }
0x136: {  	v49 =	vadd.s32 v5, v12;
	v46 =	vld.idx.msk [tilespmem:v11+s24+$0x0], $0xffff  }
0x137: {  	v48 =	vadd.s32 v5, v13  }
0x138: {  	[tilespmem:s21+$0x40] =	vst v19  }
0x139: {  	v9 =	vld.idx.msk [tilespmem:v45+s24+$0x0], $0xffff;
	[tilespmem:s22+$0x40] =	vst v8  }
0x13a: {  	v51 =	vadd.s32 v6, v14;
	v8 =	vld.idx.msk [tilespmem:v44+s24+$0x0], $0xffff;
	[tilespmem:s10+$0x0] =	vst v47  }
0x13b: {  	v50 =	vadd.s32 v6, v15;
	[tilespmem:s6+$0x40] =	vst v46;
	v53 =	vld.idx.msk [tilespmem:v49+s24+$0x0], $0xffff  }
0x13c: {  	v55 =	vadd.s32 v6, v12;
	v52 =	vld.idx.msk [tilespmem:v48+s24+$0x0], $0xffff  }
0x13d: {  	v54 =	vadd.s32 v6, v13;
	[tilespmem:s20+$0x20] =	vst @p0 v21  }
0x13e: {  	[tilespmem:s21+$0x50] =	vst v9  }
0x13f: {  	v9 =	vld.idx.msk [tilespmem:v51+s24+$0x0], $0xffff;
	[tilespmem:s22+$0x50] =	vst v8  }
0x140: {  	v57 =	vadd.s32 v7, v14;
	v8 =	vld.idx.msk [tilespmem:v50+s24+$0x0], $0xffff;
	[tilespmem:s10+$0x10] =	vst v53  }
0x141: {  	v56 =	vadd.s32 v7, v15;
	[tilespmem:s6+$0x50] =	vst v52;
	v59 =	vld.idx.msk [tilespmem:v55+s24+$0x0], $0xffff  }
0x142: {  	[tilespmem:s26+$0x70] =	vst @p0 v18;
	v61 =	vadd.s32 v7, v12;
	v58 =	vld.idx.msk [tilespmem:v54+s24+$0x0], $0xffff  }
0x143: {  	v60 =	vadd.s32 v7, v13;
	v18 =	vld.idx.msk @p0 [tilespmem:v23+s24+$0x0], $0xffff;
	[tilespmem:s25+$0x70] =	vst @p0 v16  }
0x144: {  	v16 =	vld.idx.msk @p0 [tilespmem:v17+s24+$0x0], $0xffff;
	[tilespmem:s21+$0x60] =	vst v9  }
0x145: {  	v9 =	vld.idx.msk [tilespmem:v57+s24+$0x0], $0xffff;
	[tilespmem:s22+$0x60] =	vst v8  }
0x146: {  	v8 =	vld.idx.msk [tilespmem:v56+s24+$0x0], $0xffff;
	[tilespmem:s10+$0x20] =	vst v59  }
0x147: {  	[tilespmem:s6+$0x60] =	vst v58;
	v63 =	vld.idx.msk [tilespmem:v61+s24+$0x0], $0xffff  }
0x148: {  	[tilespmem:s8+$0x70] =	vst @p0 v18;
	v62 =	vld.idx.msk [tilespmem:v60+s24+$0x0], $0xffff  }
0x149: {  	[tilespmem:s20+$0x30] =	vst @p0 v16;
	p0 =	seq.s32 s31, $0x0  }
.Ltmp9:
0x14a: {  	[tilespmem:s21+$0x70] =	vst v9;
	(pc) =	sbr.rel @p0 .LBB2_21-.Ltmp9, $4  }
0x14b: {  	[tilespmem:s22+$0x70] =	vst v8  }
0x14c: {  	s0 =	sshll.u32 s29, $0xD;
	s2 =	sadd.s32 s3, s2;
	[tilespmem:s10+$0x30] =	vst v63  }
0x14d: {  	s26 =	simm.s32 $0x9100;
	s0 =	sadd.s32 s0, s2;
	[tilespmem:s6+$0x70] =	vst v62  }
0x14e: {  	[hbm4b:s0+s17] =	stream.strided.scatter [tilespmem:s26], [sflag:$0x3], $0x2000, s18, s17, $0x38;
	[tilespmem:$0x10300] =	vst v63  }
.LBB2_12:
0x14f: {  	p0 =	seq.s32 s28, $0x31  }
0x150: {  	s0 =	sadd.s32 @!p0 $0x1, s30  }
0x151: {  	s2 =	sshll.u32 @!p0 s0, $0x4;
	s4 =	sshll.u32 @!p0 s0, $0x7;
	s0 =	sshll.u32 @!p0 s0, $0x1  }
0x152: {  	s2 =	sand.u32 @!p0 $0xFFFFC00, s2;
	s4 =	sand.u32 @!p0 $0x380, s4;
	s0 =	sand.u32 @!p0 $0x70, s0  }
0x153: {  	s2 =	sor.u32 @!p0 s4, s2;
	s0 =	sadd.s32 @!p0 s1, s0  }
0x154: {  	s0 =	sadd.s32 @!p0 s2, s0;
	s2 =	simm.s32 @!p0 $0x0  }
0x155: {  	[tilespmem:s2], [sflag:$0x5] =	stream.linear.gather @!p0 [hbm4b:s0+s2], $0x80, $0x38;
	[tilespmem:$0x10300] =	vst v63  }
0x156: {  	s0 =	simm.s32 @!p0 $0x5  }
0x157: {  	_ =	swait.ge @!p0 [sflag:s0], $0x80  }
0x158: {  	[sflag:s0] =	ssyncset.done @!p0 $0x0  }
0x159: {  	s4 =	simm.s32 @!p0 $0x100;
	[sflag:s0] =	ssyncadd.s32 @!p0 $0xFFFFFF80;
	s0 =	simm.s32 @!p0 $0x80  }
0x15a: {  	[tilespmem:s4], [sflag:$0x1] =	stream.indirect.gather @!p0 [hbm4b:s5+s0], $0x40, s2, s0, $0xb8;
	[tilespmem:$0x10300] =	vst v63  }
0x15b: {  	_ =	swait.ge [sflag:s15], $0x2000  }
0x15c: {  	p0 =	slt.u32 s28, $0x2;
	[sflag:s15] =	ssyncset.done $0x0  }
0x15d: {  	s0 =	simm.s32 @!p0 $0x4;
	[sflag:s15] =	ssyncadd.s32 $0xFFFFE000  }
0x15e: {  	_ =	swait.ge @!p0 [sflag:s0], $0x2000  }
0x15f: {  	s26 =	sshll.u32 s29, $0x6;
	[sflag:s0] =	ssyncset.done @!p0 $0x0  }
0x160: {  	s31 =	sand.u32 $0x3FFFFFC0, s26;
	[sflag:s0] =	ssyncadd.s32 @!p0 $0xFFFFE000  }
0x161: {  	v10 =	vld [tilespmem:s31+$0xD100]  }
0x162: {  	s8 =	simm.s32 $0x2200;
	v11 =	vld [tilespmem:s31+$0xD110]  }
0x163: {  	v12 =	vld [tilespmem:s8+$0xC0]  }
0x164: {  	v13 =	vld [tilespmem:s8+$0xFFFFFF40]  }
0x165: {  	v9 =	vld [tilespmem:s31+$0xD120]  }
0x166: {  	v14 =	vld [tilespmem:s8+$0xFFFFFF80]  }
0x167: {  	v15 =	vld [tilespmem:s8+$0xFFFFFFC0]  }
0x168: {  	v16 =	vld [tilespmem:s8+$0x0];
	v12 =	vmul.f32 $8.000000000e+00, v12  }
0x169: {  	v17 =	vld [tilespmem:s8+$0x40];
	v13 =	vmul.f32 $8.000000000e+00, v13  }
0x16a: {  	v18 =	vld [tilespmem:s8+$0x80];
	v12 =	vadd.f32 v12, v10  }
0x16b: {  	s0 =	simm.s32 $0x6A40;
	v19 =	vld [tilespmem:s8+$0xFFFFFF00];
	v14 =	vmul.f32 $8.000000000e+00, v14;
	v13 =	vadd.f32 v13, v10  }
0x16c: {  	v8 =	vld [tilespmem:s31+$0xD130];
	[tilespmem:s0+$0xF0] =	vst v12;
	v12 =	vmul.f32 $8.000000000e+00, v15  }
0x16d: {  	v14 =	vadd.f32 v14, v10;
	[tilespmem:s0+$0xFFFFFF10] =	vst v13;
	v15 =	vmul.f32 $8.000000000e+00, v16;
	v13 =	vld [tilespmem:s8+$0xD0]  }
0x16e: {  	v17 =	vmul.f32 $8.000000000e+00, v17;
	v16 =	vld [tilespmem:s8+$0xFFFFFF50];
	v12 =	vadd.f32 v12, v10  }
0x16f: {  	[tilespmem:s0+$0xFFFFFF60] =	vst v14;
	v14 =	vadd.f32 v15, v10;
	v15 =	vmul.f32 $8.000000000e+00, v18  }
0x170: {  	v18 =	vmul.f32 $8.000000000e+00, v19;
	v19 =	vld [tilespmem:s8+$0xFFFFFF90];
	[tilespmem:s0+$0xFFFFFFB0] =	vst v12;
	v12 =	vadd.f32 v17, v10  }
0x171: {  	[tilespmem:s0+$0x0] =	vst v14;
	v14 =	vadd.f32 v15, v10;
	v17 =	vld [tilespmem:s8+$0xFFFFFFD0]  }
0x172: {  	v15 =	vadd.f32 v18, v10;
	v18 =	vld [tilespmem:s8+$0x10];
	v13 =	vmul.f32 $8.000000000e+00, v13;
	[tilespmem:s0+$0x50] =	vst v12  }
0x173: {  	v12 =	vmul.f32 $8.000000000e+00, v16;
	[tilespmem:s0+$0xA0] =	vst v14;
	v16 =	vld [tilespmem:s8+$0x50]  }
0x174: {  	[tilespmem:s0+$0xFFFFFEC0] =	vst v15;
	v14 =	vld [tilespmem:s8+$0x90];
	v13 =	vadd.f32 v13, v11  }
0x175: {  	v15 =	vld [tilespmem:s8+$0xFFFFFF10];
	v19 =	vmul.f32 $8.000000000e+00, v19;
	v12 =	vadd.f32 v12, v11  }
0x176: {  	[tilespmem:s0+$0x100] =	vst v13;
	v13 =	vmul.f32 $8.000000000e+00, v17  }
0x177: {  	[tilespmem:s0+$0xFFFFFF20] =	vst v12;
	v17 =	vadd.f32 v19, v11;
	v18 =	vmul.f32 $8.000000000e+00, v18;
	v12 =	vld [tilespmem:s8+$0xE0]  }
0x178: {  	v19 =	vld [tilespmem:s8+$0xFFFFFF60];
	v13 =	vadd.f32 v13, v11;
	v16 =	vmul.f32 $8.000000000e+00, v16  }
0x179: {  	[tilespmem:s0+$0xFFFFFF70] =	vst v17;
	v17 =	vadd.f32 v18, v11;
	v14 =	vmul.f32 $8.000000000e+00, v14  }
0x17a: {  	v15 =	vmul.f32 $8.000000000e+00, v15;
	v18 =	vld [tilespmem:s8+$0xFFFFFFA0];
	[tilespmem:s0+$0xFFFFFFC0] =	vst v13;
	v13 =	vadd.f32 v16, v11  }
0x17b: {  	[tilespmem:s0+$0x10] =	vst v17;
	v14 =	vadd.f32 v14, v11;
	v16 =	vld [tilespmem:s8+$0xFFFFFFE0]  }
0x17c: {  	v15 =	vadd.f32 v15, v11;
	v17 =	vld [tilespmem:s8+$0x20];
	v12 =	vmul.f32 $8.000000000e+00, v12;
	[tilespmem:s0+$0x60] =	vst v13  }
0x17d: {  	v13 =	vmul.f32 $8.000000000e+00, v19;
	[tilespmem:s0+$0xB0] =	vst v14;
	v19 =	vld [tilespmem:s8+$0x60]  }
0x17e: {  	[tilespmem:s0+$0xFFFFFED0] =	vst v15;
	v14 =	vld [tilespmem:s8+$0xA0];
	v12 =	vadd.f32 v12, v9  }
0x17f: {  	s6 =	simm.s32 $0x2400;
	v15 =	vld [tilespmem:s8+$0xFFFFFF20];
	v13 =	vadd.f32 v13, v9;
	v18 =	vmul.f32 $8.000000000e+00, v18  }
0x180: {  	v20 =	vld [tilespmem:s6+$0xC0];
	[tilespmem:s0+$0x110] =	vst v12;
	v12 =	vmul.f32 $8.000000000e+00, v16  }
0x181: {  	[tilespmem:s0+$0xFFFFFF30] =	vst v13;
	v16 =	vadd.f32 v18, v9;
	v17 =	vmul.f32 $8.000000000e+00, v17;
	v13 =	vld [tilespmem:s8+$0xF0]  }
0x182: {  	v18 =	vld [tilespmem:s8+$0xFFFFFF70];
	v12 =	vadd.f32 v12, v9;
	v19 =	vmul.f32 $8.000000000e+00, v19  }
0x183: {  	[tilespmem:s0+$0xFFFFFF80] =	vst v16;
	v16 =	vadd.f32 v17, v9;
	v14 =	vmul.f32 $8.000000000e+00, v14;
	v17 =	vld [tilespmem:s6+$0xFFFFFF40]  }
0x184: {  	v15 =	vmul.f32 $8.000000000e+00, v15;
	[tilespmem:s0+$0xFFFFFFD0] =	vst v12;
	v12 =	vadd.f32 v19, v9;
	v19 =	vld [tilespmem:s6+$0xFFFFFF80]  }
0x185: {  	v20 =	vmul.f32 $8.000000000e+00, v20;
	[tilespmem:s0+$0x20] =	vst v16;
	v14 =	vadd.f32 v14, v9;
	v16 =	vld [tilespmem:s6+$0xFFFFFFC0]  }
0x186: {  	v15 =	vadd.f32 v15, v9;
	v13 =	vmul.f32 $8.000000000e+00, v13;
	[tilespmem:s0+$0x70] =	vst v12;
	v12 =	vld [tilespmem:s6+$0x0]  }
0x187: {  	v20 =	vadd.f32 v20, v10;
	v18 =	vmul.f32 $8.000000000e+00, v18;
	[tilespmem:s0+$0xC0] =	vst v14;
	v14 =	vld [tilespmem:s6+$0x40]  }
0x188: {  	s2 =	simm.s32 $0x6CC0;
	[tilespmem:s0+$0xFFFFFEE0] =	vst v15;
	v15 =	vmul.f32 $8.000000000e+00, v17;
	v17 =	vld [tilespmem:s6+$0x80];
	v13 =	vadd.f32 v13, v8  }
0x189: {  	v21 =	vld [tilespmem:s6+$0xFFFFFF00];
	[tilespmem:s2+$0xF0] =	vst v20;
	v18 =	vadd.f32 v18, v8;
	v19 =	vmul.f32 $8.000000000e+00, v19  }
0x18a: {  	[tilespmem:s0+$0x120] =	vst v13;
	v13 =	vadd.f32 v15, v10;
	v15 =	vmul.f32 $8.000000000e+00, v16;
	v16 =	vld [tilespmem:s8+$0xFFFFFF30]  }
0x18b: {  	[tilespmem:s0+$0xFFFFFF40] =	vst v18;
	v18 =	vadd.f32 v19, v10;
	v12 =	vmul.f32 $8.000000000e+00, v12;
	v19 =	vld [tilespmem:s8+$0xFFFFFFB0]  }
0x18c: {  	v14 =	vmul.f32 $8.000000000e+00, v14;
	[tilespmem:s2+$0xFFFFFF10] =	vst v13;
	v13 =	vadd.f32 v15, v10;
	v15 =	vld [tilespmem:s6+$0xD0]  }
0x18d: {  	v17 =	vmul.f32 $8.000000000e+00, v17;
	v20 =	vld [tilespmem:s6+$0xFFFFFF50];
	[tilespmem:s2+$0xFFFFFF60] =	vst v18;
	v12 =	vadd.f32 v12, v10  }
0x18e: {  	v18 =	vmul.f32 $8.000000000e+00, v21;
	v21 =	vld [tilespmem:s6+$0xFFFFFF90];
	[tilespmem:s2+$0xFFFFFFB0] =	vst v13;
	v13 =	vadd.f32 v14, v10  }
0x18f: {  	v14 =	vld [tilespmem:s6+$0xFFFFFFD0];
	[tilespmem:s2+$0x0] =	vst v12;
	v12 =	vadd.f32 v17, v10;
	v16 =	vmul.f32 $8.000000000e+00, v16  }
0x190: {  	v17 =	vadd.f32 v18, v10;
	v18 =	vld [tilespmem:s6+$0x10];
	[tilespmem:s2+$0x50] =	vst v13;
	v13 =	vmul.f32 $8.000000000e+00, v19  }
0x191: {  	v19 =	vld [tilespmem:s6+$0x50];
	[tilespmem:s2+$0xA0] =	vst v12;
	v12 =	vmul.f32 $8.000000000e+00, v15;
	v15 =	vadd.f32 v16, v8  }
0x192: {  	[tilespmem:s2+$0xFFFFFEC0] =	vst v17;
	v16 =	vmul.f32 $8.000000000e+00, v20;
	v17 =	vld [tilespmem:s6+$0x90];
	v13 =	vadd.f32 v13, v8  }
0x193: {  	v20 =	vld [tilespmem:s6+$0xFFFFFF10];
	v21 =	vmul.f32 $8.000000000e+00, v21;
	v12 =	vadd.f32 v12, v11;
	[tilespmem:s0+$0xFFFFFEF0] =	vst v15  }
0x194: {  	v15 =	vadd.f32 v16, v11;
	v14 =	vmul.f32 $8.000000000e+00, v14;
	[tilespmem:s0+$0xFFFFFF90] =	vst v13;
	v13 =	vld [tilespmem:s8+$0xFFFFFFF0]  }
0x195: {  	v16 =	vadd.f32 v21, v11;
	v18 =	vmul.f32 $8.000000000e+00, v18;
	[tilespmem:s2+$0x100] =	vst v12;
	v12 =	vld [tilespmem:s8+$0x30]  }
0x196: {  	[tilespmem:s2+$0xFFFFFF20] =	vst v15;
	v14 =	vadd.f32 v14, v11;
	v15 =	vmul.f32 $8.000000000e+00, v19;
	v19 =	vld [tilespmem:s6+$0xE0]  }
0x197: {  	v21 =	vld [tilespmem:s6+$0xFFFFFF60];
	[tilespmem:s2+$0xFFFFFF70] =	vst v16;
	v16 =	vadd.f32 v18, v11;
	v17 =	vmul.f32 $8.000000000e+00, v17  }
0x198: {  	v18 =	vmul.f32 $8.000000000e+00, v20;
	v20 =	vld [tilespmem:s6+$0xFFFFFFA0];
	[tilespmem:s2+$0xFFFFFFC0] =	vst v14;
	v14 =	vadd.f32 v15, v11  }
0x199: {  	v22 =	vld [tilespmem:s6+$0xFFFFFFE0];
	[tilespmem:s2+$0x10] =	vst v16;
	v15 =	vadd.f32 v17, v11;
	v13 =	vmul.f32 $8.000000000e+00, v13  }
0x19a: {  	v16 =	vadd.f32 v18, v11;
	v17 =	vld [tilespmem:s6+$0x20];
	[tilespmem:s2+$0x60] =	vst v14;
	v12 =	vmul.f32 $8.000000000e+00, v12  }
0x19b: {  	v14 =	vld [tilespmem:s6+$0x60];
	[tilespmem:s2+$0xB0] =	vst v15;
	v18 =	vmul.f32 $8.000000000e+00, v19;
	v13 =	vadd.f32 v13, v8  }
0x19c: {  	[tilespmem:s2+$0xFFFFFED0] =	vst v16;
	v16 =	vmul.f32 $8.000000000e+00, v21;
	v19 =	vld [tilespmem:s6+$0xA0];
	v12 =	vadd.f32 v12, v8  }
0x19d: {  	v15 =	vld [tilespmem:s6+$0xFFFFFF20];
	v20 =	vmul.f32 $8.000000000e+00, v20;
	v18 =	vadd.f32 v18, v9;
	[tilespmem:s0+$0xFFFFFFE0] =	vst v13  }
0x19e: {  	v16 =	vadd.f32 v16, v9;
	v21 =	vmul.f32 $8.000000000e+00, v22;
	[tilespmem:s0+$0x30] =	vst v12;
	v12 =	vld [tilespmem:s8+$0x70]  }
0x19f: {  	v13 =	vld [tilespmem:s8+$0xB0];
	v20 =	vadd.f32 v20, v9;
	v22 =	vmul.f32 $8.000000000e+00, v17;
	[tilespmem:s2+$0x110] =	vst v18  }
0x1a0: {  	[tilespmem:s2+$0xFFFFFF30] =	vst v16;
	v17 =	vadd.f32 v21, v9;
	v16 =	vld [tilespmem:s6+$0xF0];
	v18 =	vmul.f32 $8.000000000e+00, v14  }
0x1a1: {  	s10 =	simm.s32 $0x2600;
	s8 =	simm.s32 $0x8;
	v14 =	vld [tilespmem:s6+$0xFFFFFF70];
	[tilespmem:s2+$0xFFFFFF80] =	vst v20;
	v20 =	vadd.f32 v22, v9;
	v19 =	vmul.f32 $8.000000000e+00, v19  }
.LBB2_13:
0x1a2: {  	v21 =	vld [tilespmem:s10+$0xC0];
	s8 =	sadd.s32 $0x8, s8;
	v15 =	vmul.f32 $8.000000000e+00, v15;
	[tilespmem:s2+$0xFFFFFFD0] =	vst v17;
	v17 =	vadd.f32 v18, v9  }
0x1a3: {  	v18 =	vld [tilespmem:s10+$0xFFFFFF40];
	p0 =	slt.u32 s8, $0x78;
	[tilespmem:s2+$0x20] =	vst v20;
	v19 =	vadd.f32 v19, v9;
	v12 =	vmul.f32 $8.000000000e+00, v12  }
0x1a4: {  	v20 =	vld [tilespmem:s10+$0xFFFFFF80];
	v15 =	vadd.f32 v15, v9;
	[tilespmem:s2+$0x70] =	vst v17;
	v13 =	vmul.f32 $8.000000000e+00, v13  }
0x1a5: {  	v17 =	vld [tilespmem:s10+$0xFFFFFFC0];
	[tilespmem:s2+$0xC0] =	vst v19;
	v16 =	vmul.f32 $8.000000000e+00, v16;
	v12 =	vadd.f32 v12, v8  }
0x1a6: {  	v19 =	vld [tilespmem:s10+$0x0];
	[tilespmem:s2+$0xFFFFFEE0] =	vst v15;
	v14 =	vmul.f32 $8.000000000e+00, v14;
	v13 =	vadd.f32 v13, v8  }
0x1a7: {  	v15 =	vld [tilespmem:s10+$0x40];
	v21 =	vmul.f32 $8.000000000e+00, v21;
	v16 =	vadd.f32 v16, v8;
	[tilespmem:s0+$0x80] =	vst v12  }
0x1a8: {  	v12 =	vmul.f32 $8.000000000e+00, v18;
	v18 =	vld [tilespmem:s10+$0x80];
	v14 =	vadd.f32 v14, v8;
	[tilespmem:s0+$0xD0] =	vst v13;
	s0 =	smov.u32 s2  }
0x1a9: {  	v13 =	vld [tilespmem:s10+$0xFFFFFF00];
	v20 =	vmul.f32 $8.000000000e+00, v20;
	v21 =	vadd.f32 v21, v10;
	[tilespmem:s2+$0x120] =	vst v16  }
0x1aa: {  	s2 =	sadd.s32 $0x280, s2;
	v12 =	vadd.f32 v12, v10;
	v16 =	vmul.f32 $8.000000000e+00, v17;
	v17 =	vld [tilespmem:s6+$0xFFFFFF30];
	[tilespmem:s0+$0xFFFFFF40] =	vst v14  }
0x1ab: {  	v14 =	vadd.f32 v20, v10;
	v19 =	vmul.f32 $8.000000000e+00, v19;
	[tilespmem:s2+$0xF0] =	vst v21;
	v20 =	vld [tilespmem:s6+$0xFFFFFFB0]  }
0x1ac: {  	[tilespmem:s2+$0xFFFFFF10] =	vst v12;
	v12 =	vadd.f32 v16, v10;
	v15 =	vmul.f32 $8.000000000e+00, v15;
	v16 =	vld [tilespmem:s10+$0xD0]  }
0x1ad: {  	v21 =	vld [tilespmem:s10+$0xFFFFFF50];
	[tilespmem:s2+$0xFFFFFF60] =	vst v14;
	v14 =	vadd.f32 v19, v10;
	v18 =	vmul.f32 $8.000000000e+00, v18  }
0x1ae: {  	v13 =	vmul.f32 $8.000000000e+00, v13;
	v19 =	vld [tilespmem:s10+$0xFFFFFF90];
	[tilespmem:s2+$0xFFFFFFB0] =	vst v12;
	v12 =	vadd.f32 v15, v10  }
0x1af: {  	v15 =	vld [tilespmem:s10+$0xFFFFFFD0];
	[tilespmem:s2+$0x0] =	vst v14;
	v14 =	vadd.f32 v18, v10;
	v17 =	vmul.f32 $8.000000000e+00, v17  }
0x1b0: {  	v13 =	vadd.f32 v13, v10;
	v18 =	vld [tilespmem:s10+$0x10];
	[tilespmem:s2+$0x50] =	vst v12;
	v12 =	vmul.f32 $8.000000000e+00, v20  }
0x1b1: {  	v20 =	vld [tilespmem:s10+$0x50];
	[tilespmem:s2+$0xA0] =	vst v14;
	v14 =	vmul.f32 $8.000000000e+00, v16;
	v16 =	vadd.f32 v17, v8  }
0x1b2: {  	[tilespmem:s2+$0xFFFFFEC0] =	vst v13;
	v13 =	vmul.f32 $8.000000000e+00, v21;
	v17 =	vld [tilespmem:s10+$0x90];
	v12 =	vadd.f32 v12, v8  }
0x1b3: {  	v21 =	vld [tilespmem:s10+$0xFFFFFF10];
	v19 =	vmul.f32 $8.000000000e+00, v19;
	v14 =	vadd.f32 v14, v11;
	[tilespmem:s0+$0xFFFFFEF0] =	vst v16  }
0x1b4: {  	v13 =	vadd.f32 v13, v11;
	v15 =	vmul.f32 $8.000000000e+00, v15;
	[tilespmem:s0+$0xFFFFFF90] =	vst v12;
	v12 =	vld [tilespmem:s6+$0xFFFFFFF0]  }
0x1b5: {  	v16 =	vadd.f32 v19, v11;
	v18 =	vmul.f32 $8.000000000e+00, v18;
	[tilespmem:s2+$0x100] =	vst v14;
	v14 =	vld [tilespmem:s6+$0x30]  }
0x1b6: {  	[tilespmem:s2+$0xFFFFFF20] =	vst v13;
	v13 =	vadd.f32 v15, v11;
	v15 =	vmul.f32 $8.000000000e+00, v20;
	v19 =	vld [tilespmem:s10+$0xE0]  }
0x1b7: {  	v20 =	vld [tilespmem:s10+$0xFFFFFF60];
	[tilespmem:s2+$0xFFFFFF70] =	vst v16;
	v16 =	vadd.f32 v18, v11;
	v17 =	vmul.f32 $8.000000000e+00, v17  }
0x1b8: {  	v18 =	vmul.f32 $8.000000000e+00, v21;
	v21 =	vld [tilespmem:s10+$0xFFFFFFA0];
	[tilespmem:s2+$0xFFFFFFC0] =	vst v13;
	v13 =	vadd.f32 v15, v11  }
0x1b9: {  	v22 =	vld [tilespmem:s10+$0xFFFFFFE0];
	[tilespmem:s2+$0x10] =	vst v16;
	v15 =	vadd.f32 v17, v11;
	v12 =	vmul.f32 $8.000000000e+00, v12  }
0x1ba: {  	v16 =	vadd.f32 v18, v11;
	v17 =	vld [tilespmem:s10+$0x20];
	[tilespmem:s2+$0x60] =	vst v13;
	v13 =	vmul.f32 $8.000000000e+00, v14  }
0x1bb: {  	v14 =	vld [tilespmem:s10+$0x60];
	[tilespmem:s2+$0xB0] =	vst v15;
	v18 =	vmul.f32 $8.000000000e+00, v19;
	v12 =	vadd.f32 v12, v8  }
0x1bc: {  	[tilespmem:s2+$0xFFFFFED0] =	vst v16;
	v16 =	vmul.f32 $8.000000000e+00, v20;
	v19 =	vld [tilespmem:s10+$0xA0];
	v13 =	vadd.f32 v13, v8  }
.Ltmp10:
0x1bd: {  	v15 =	vld [tilespmem:s10+$0xFFFFFF20];
	v20 =	vmul.f32 $8.000000000e+00, v21;
	v18 =	vadd.f32 v18, v9;
	[tilespmem:s0+$0xFFFFFFE0] =	vst v12;
	(pc) =	sbr.rel @p0 .LBB2_13-.Ltmp10, $4  }
0x1be: {  	v16 =	vadd.f32 v16, v9;
	v21 =	vmul.f32 $8.000000000e+00, v22;
	[tilespmem:s0+$0x30] =	vst v13;
	v12 =	vld [tilespmem:s6+$0x70]  }
0x1bf: {  	v20 =	vadd.f32 v20, v9;
	v22 =	vmul.f32 $8.000000000e+00, v17;
	[tilespmem:s2+$0x110] =	vst v18;
	v13 =	vld [tilespmem:s6+$0xB0];
	s6 =	smov.u32 s10  }
0x1c0: {  	[tilespmem:s2+$0xFFFFFF30] =	vst v16;
	v17 =	vadd.f32 v21, v9;
	v18 =	vmul.f32 $8.000000000e+00, v14;
	v16 =	vld [tilespmem:s10+$0xF0]  }
0x1c1: {  	s10 =	sadd.s32 $0x200, s10;
	v14 =	vld [tilespmem:s6+$0xFFFFFF70];
	[tilespmem:s2+$0xFFFFFF80] =	vst v20;
	v20 =	vadd.f32 v22, v9;
	v19 =	vmul.f32 $8.000000000e+00, v19  }
0x1c2: {  	v10 =	vmul.f32 $8.000000000e+00, v15;
	[tilespmem:s2+$0xFFFFFFD0] =	vst v17;
	v11 =	vld [tilespmem:s6+$0xFFFFFFB0];
	v15 =	vadd.f32 v18, v9  }
0x1c3: {  	[tilespmem:s2+$0x20] =	vst v20;
	v17 =	vld [tilespmem:s6+$0xFFFFFFF0];
	v48 =	vadd.f32 v19, v9  }
0x1c4: {  	v12 =	vmul.f32 $8.000000000e+00, v12;
	v10 =	vadd.f32 v10, v9;
	v18 =	vld [tilespmem:s6+$0x30];
	[tilespmem:s2+$0x70] =	vst v15  }
0x1c5: {  	v13 =	vmul.f32 $8.000000000e+00, v13;
	[tilespmem:s2+$0xC0] =	vst v48;
	v15 =	vld [tilespmem:s6+$0x70]  }
0x1c6: {  	v49 =	vmul.f32 $8.000000000e+00, v16;
	v12 =	vadd.f32 v12, v8;
	[tilespmem:s2+$0xFFFFFEE0] =	vst v10;
	v16 =	vld [tilespmem:s6+$0xB0]  }
0x1c7: {  	v14 =	vmul.f32 $8.000000000e+00, v14;
	v13 =	vadd.f32 v13, v8;
	v10 =	vld [tilespmem:s6+$0xFFFFFF30]  }
0x1c8: {  	s4 =	simm.s32 $0x0;
	v9 =	vadd.f32 v49, v8;
	[tilespmem:s0+$0x80] =	vst v12;
	v11 =	vmul.f32 $8.000000000e+00, v11;
	v12 =	vmul.f32 $8.000000000e+00, v17  }
0x1c9: {  	v53 =	vmov s4;
	v14 =	vadd.f32 v14, v8;
	[tilespmem:s0+$0xD0] =	vst v13;
	v13 =	vmul.f32 $8.000000000e+00, v18  }
0x1ca: {  	s11 =	simm.s32 $0x1;
	s14 =	simm.s32 $0x2;
	[tilespmem:s2+$0x120] =	vst v9;
	v50 =	vadd.f32 v11, v8;
	v51 =	vadd.f32 v12, v8;
	v12 =	vmul.f32 $8.000000000e+00, v15  }
0x1cb: {  	[tilespmem:s2+$0xFFFFFF40] =	vst v14;
	v14 =	vmov s11;
	v15 =	vmov s14;
	v13 =	vadd.f32 v13, v8  }
0x1cc: {  	v52 =	vmul.f32 $8.000000000e+00, v16;
	v14 =	vand.u32 $0x3D, v14;
	[tilespmem:s2+$0xFFFFFF90] =	vst v50;
	v10 =	vmul.f32 $8.000000000e+00, v10  }
0x1cd: {  	v15 =	vand.u32 $0x3E, v15;
	v16 =	vadd.s32 v0, v14;
	[tilespmem:s2+$0xFFFFFFE0] =	vst v51;
	v54 =	vadd.f32 v12, v8  }
0x1ce: {  	v12 =	vand.u32 $0x3C, v53;
	v55 =	vadd.s32 v0, v15;
	[tilespmem:s2+$0x30] =	vst v13;
	v10 =	vadd.f32 v10, v8  }
0x1cf: {  	s20 =	simm.s32 $0x3;
	v56 =	vadd.s32 v0, v12;
	v8 =	vadd.f32 v52, v8;
	[tilespmem:s2+$0x80] =	vst v54  }
0x1d0: {  	v57 =	vmov s20;
	[tilespmem:s2+$0xFFFFFEF0] =	vst v10  }
0x1d1: {  	v13 =	vand.u32 $0x3F, v57;
	[tilespmem:s2+$0xD0] =	vst v8  }
0x1d2: {  	v8 =	vadd.s32 v0, v13;
	v58 =	vld.idx.msk [tilespmem:v16+s16+$0x0], $0xffff  }
0x1d3: {  	s21 =	simm.s32 $0x0;
	v9 =	vld.idx.msk [tilespmem:v55+s16+$0x0], $0xffff;
	v16 =	vadd.s32 v1, v14  }
0x1d4: {  	s22 =	simm.s32 $0x80;
	s0 =	sand.u32 $0x1C00, s21;
	v17 =	vadd.s32 v1, v15;
	v10 =	vld.idx.msk [tilespmem:v56+s16+$0x0], $0xffff  }
0x1d5: {  	s26 =	simm.s32 $0x100;
	s25 =	sadd.s32 $0xB100, s0;
	v18 =	vadd.s32 v1, v12;
	s2 =	sand.u32 $0x280, s22  }
0x1d6: {  	s0 =	sand.u32 $0x300, s26;
	s2 =	sor.u32 s2, s25  }
0x1d7: {  	s0 =	sadd.s32 s0, s25;
	v8 =	vld.idx.msk [tilespmem:v8+s16+$0x0], $0xffff;
	[tilespmem:s2+$0x0] =	vst v58  }
0x1d8: {  	s11 =	simm.s32 $0xB140;
	v60 =	vadd.s32 v1, v13;
	[tilespmem:s0+$0x0] =	vst v9;
	v59 =	vld.idx.msk [tilespmem:v16+s16+$0x0], $0xffff  }
0x1d9: {  	s31 =	simm.s32 $0x180;
	[tilespmem:s11+$0xFFFFFFC0] =	vst v10;
	v61 =	vld.idx.msk [tilespmem:v17+s16+$0x0], $0xffff;
	v16 =	vadd.s32 v2, v14  }
0x1da: {  	s6 =	sand.u32 $0x380, s31;
	v17 =	vld.idx.msk [tilespmem:v18+s16+$0x0], $0xffff;
	v18 =	vadd.s32 v2, v15  }
0x1db: {  	s6 =	sadd.s32 s6, s25;
	v19 =	vadd.s32 v2, v12  }
0x1dc: {  	[tilespmem:s6+$0x0] =	vst v8  }
0x1dd: {  	v8 =	vld.idx.msk [tilespmem:v60+s16+$0x0], $0xffff;
	[tilespmem:s2+$0x10] =	vst v59  }
0x1de: {  	v62 =	vadd.s32 v2, v13;
	[tilespmem:s0+$0x10] =	vst v61;
	v9 =	vld.idx.msk [tilespmem:v16+s16+$0x0], $0xffff  }
0x1df: {  	[tilespmem:s11+$0xFFFFFFD0] =	vst v17;
	v63 =	vld.idx.msk [tilespmem:v18+s16+$0x0], $0xffff;
	v16 =	vadd.s32 v3, v14  }
0x1e0: {  	p1 =	por $0x1, $0x1;
	v18 =	vadd.s32 v3, v15;
	v17 =	vld.idx.msk [tilespmem:v19+s16+$0x0], $0xffff  }
.Ltmp11:
0x1e1: {  	_ = 	snop;
	(pc) =	sbr.rel @!p1 .LBB2_15-.Ltmp11, $4  }
0x1e2: {  	[tilespmem:s6+$0x10] =	vst v8  }
0x1e3: {  	v22 =	vld.idx.msk [tilespmem:v62+s16+$0x0], $0xffff;
	[tilespmem:s2+$0x20] =	vst v9  }
0x1e4: {  	v26 =	vadd.s32 v4, v14;
	[tilespmem:s0+$0x20] =	vst v63;
	v19 =	vld.idx.msk [tilespmem:v16+s16+$0x0], $0xffff  }
0x1e5: {  	s8 =	simm.s32 $0x4;
	p0 =	por $0x0, $0x0;
	v25 =	vadd.s32 v3, v12;
	v24 =	vadd.s32 v3, v13;
	[tilespmem:s11+$0xFFFFFFE0] =	vst v17;
	v20 =	vld.idx.msk [tilespmem:v18+s16+$0x0], $0xffff  }
0x1e6: {  	_ =	sdelay $0x3  }
0x1e7: {  	v8 =	vmov s8;
	s4 =	simm.s32 $0x5;
	v11 =	vadd.s32 v4, v15;
	v17 =	vld.idx.msk [tilespmem:v25+s16+$0x0], $0xffff  }
0x1e8: {  	s21 =	simm.s32 $0x6;
	v21 =	vadd.s32 v4, v12;
	v9 =	vand.u32 $0x3C, v8;
	v8 =	vmov s4  }
0x1e9: {  	v10 =	vmov s21;
	v16 =	vadd.s32 v0, v9;
	v8 =	vand.u32 $0x3D, v8;
	[tilespmem:s6+$0x20] =	vst v22  }
0x1ea: {  	v10 =	vand.u32 $0x3E, v10;
	v18 =	vadd.s32 v0, v8;
	[tilespmem:s2+$0x30] =	vst v19;
	v19 =	vld.idx.msk [tilespmem:v24+s16+$0x0], $0xffff  }
0x1eb: {  	s22 =	simm.s32 $0x7;
	v22 =	vadd.s32 v0, v10;
	v23 =	vld.idx.msk [tilespmem:v26+s16+$0x0], $0xffff;
	[tilespmem:s0+$0x30] =	vst v20  }
0x1ec: {  	v25 =	vadd.s32 v4, v13;
	v20 =	vmov s22;
	v24 =	vld.idx.msk [tilespmem:v11+s16+$0x0], $0xffff;
	[tilespmem:s11+$0xFFFFFFF0] =	vst v17  }
0x1ed: {  	v11 =	vand.u32 $0x3F, v20;
	v20 =	vadd.s32 v5, v14;
	v17 =	vld.idx.msk [tilespmem:v21+s16+$0x0], $0xffff  }
0x1ee: {  	v26 =	vadd.s32 v0, v11;
	v16 =	vld.idx.msk [tilespmem:v16+s16+$0x0], $0xffff  }
0x1ef: {  	v21 =	vadd.s32 v5, v15;
	v18 =	vld.idx.msk [tilespmem:v18+s16+$0x0], $0xffff;
	[tilespmem:s6+$0x30] =	vst v19  }
0x1f0: {  	s25 =	simm.s32 $0x200;
	v27 =	vadd.s32 v1, v9;
	v22 =	vld.idx.msk [tilespmem:v22+s16+$0x0], $0xffff;
	[tilespmem:s2+$0x40] =	vst v23  }
0x1f1: {  	s26 =	simm.s32 $0x280;
	s4 =	sand.u32 $0x1C00, s25;
	v19 =	vadd.s32 v5, v12;
	v23 =	vld.idx.msk [tilespmem:v25+s16+$0x0], $0xffff;
	[tilespmem:s0+$0x40] =	vst v24  }
0x1f2: {  	s8 =	simm.s32 $0xB340;
	s10 =	sand.u32 $0x280, s26;
	s4 =	sadd.s32 $0xB100, s4;
	v25 =	vadd.s32 v1, v8;
	v20 =	vld.idx.msk [tilespmem:v20+s16+$0x0], $0xffff;
	[tilespmem:s11+$0x0] =	vst v17  }
0x1f3: {  	s31 =	simm.s32 $0x300;
	s20 =	sor.u32 s10, s4;
	v24 =	vld.idx.msk [tilespmem:v26+s16+$0x0], $0xffff;
	v17 =	vadd.s32 v6, v14;
	[tilespmem:s8+$0xFFFFFFC0] =	vst v16  }
0x1f4: {  	s10 =	sand.u32 $0x300, s31;
	v16 =	vadd.s32 v1, v10;
	[tilespmem:s20+$0x0] =	vst v18;
	v18 =	vld.idx.msk [tilespmem:v21+s16+$0x0], $0xffff  }
0x1f5: {  	s22 =	sadd.s32 s10, s4;
	v21 =	vadd.s32 v5, v13;
	v26 =	vld.idx.msk [tilespmem:v27+s16+$0x0], $0xffff  }
0x1f6: {  	s10 =	simm.s32 $0x380;
	[tilespmem:s22+$0x0] =	vst v22;
	v19 =	vld.idx.msk [tilespmem:v19+s16+$0x0], $0xffff;
	v27 =	vadd.s32 v1, v11  }
0x1f7: {  	s14 =	sand.u32 $0x380, s10;
	v22 =	vadd.s32 v6, v15;
	v25 =	vld.idx.msk [tilespmem:v25+s16+$0x0], $0xffff;
	[tilespmem:s2+$0x50] =	vst v20  }
0x1f8: {  	s14 =	sadd.s32 s14, s4;
	[tilespmem:s6+$0x40] =	vst v23;
	v23 =	vadd.s32 v2, v9;
	v17 =	vld.idx.msk [tilespmem:v17+s16+$0x0], $0xffff  }
0x1f9: {  	v20 =	vadd.s32 v2, v8;
	[tilespmem:s14+$0x0] =	vst v24;
	v16 =	vld.idx.msk [tilespmem:v16+s16+$0x0], $0xffff  }
0x1fa: {  	v14 =	vadd.s32 v7, v14;
	v21 =	vld.idx.msk [tilespmem:v21+s16+$0x0], $0xffff;
	[tilespmem:s0+$0x50] =	vst v18  }
0x1fb: {  	v24 =	vadd.s32 v2, v10;
	[tilespmem:s8+$0xFFFFFFD0] =	vst v26;
	v27 =	vld.idx.msk [tilespmem:v27+s16+$0x0], $0xffff  }
0x1fc: {  	[tilespmem:s11+$0x10] =	vst v19;
	v18 =	vld.idx.msk [tilespmem:v22+s16+$0x0], $0xffff;
	v22 =	vadd.s32 v6, v13  }
0x1fd: {  	v26 =	vadd.s32 v6, v12;
	v19 =	vld.idx.msk [tilespmem:v23+s16+$0x0], $0xffff;
	[tilespmem:s20+$0x10] =	vst v25  }
0x1fe: {  	v23 =	vadd.s32 v2, v11;
	v20 =	vld.idx.msk [tilespmem:v20+s16+$0x0], $0xffff;
	[tilespmem:s2+$0x60] =	vst v17  }
0x1ff: {  	v15 =	vadd.s32 v7, v15;
	[tilespmem:s22+$0x10] =	vst v16;
	v16 =	vld.idx.msk [tilespmem:v14+s16+$0x0], $0xffff  }
0x200: {  	v25 =	vadd.s32 v3, v8;
	v24 =	vld.idx.msk [tilespmem:v24+s16+$0x0], $0xffff;
	[tilespmem:s6+$0x50] =	vst v21  }
0x201: {  	p1 =	por $0x1, $0x1;
	v29 =	vadd.s32 v3, v10;
	[tilespmem:s14+$0x10] =	vst v27;
	v28 =	vld.idx.msk [tilespmem:v22+s16+$0x0], $0xffff  }
.Ltmp12:
0x202: {  	v21 =	vld.idx.msk [tilespmem:v26+s16+$0x0], $0xffff;
	[tilespmem:s0+$0x60] =	vst v18;
	(pc) =	sbr.rel @!p1 .LBB2_17-.Ltmp12, $4  }
0x203: {  	[tilespmem:s8+$0xFFFFFFE0] =	vst v19;
	v22 =	vld.idx.msk [tilespmem:v23+s16+$0x0], $0xffff;
	v23 =	vadd.s32 v7, v13  }
0x204: {  	v17 =	vadd.s32 v7, v12;
	v18 =	vld.idx.msk [tilespmem:v15+s16+$0x0], $0xffff;
	[tilespmem:s20+$0x20] =	vst v20  }
0x205: {  	v19 =	vld.idx.msk [tilespmem:v25+s16+$0x0], $0xffff;
	v25 =	vadd.s32 v3, v9;
	[tilespmem:s22+$0x20] =	vst v24  }
0x206: {  	p0 =	por $0x1, $0x1;
	s21 =	simm.s32 $0x8;
	v14 =	vadd.s32 v4, v8;
	v24 =	vadd.s32 v3, v11;
	v20 =	vld.idx.msk [tilespmem:v29+s16+$0x0], $0xffff;
	[tilespmem:s6+$0x60] =	vst v28  }
.LBB2_18:
0x207: {  	s4 =	sadd.s32 $0x1, s21  }
0x208: {  	v12 =	vmov s21;
	p1 =	slt.u32 s21, $0x3C;
	v13 =	vadd.s32 v4, v9;
	[tilespmem:s11+$0x20] =	vst v21;
	v15 =	vld.idx.msk [tilespmem:v23+s16+$0x0], $0xffff;
	s25 =	smov.u32 s21;
	s21 =	sadd.s32 $0x4, s21  }
0x209: {  	v23 =	vadd.s32 v4, v10;
	v12 =	vand.u32 $0x3C, v12;
	v21 =	vmov s4;
	s4 =	sadd.s32 $0x2, s25;
	v17 =	vld.idx.msk [tilespmem:v17+s16+$0x0], $0xffff;
	[tilespmem:s0+$0x70] =	vst v18;
	s0 =	smov.u32 s22  }
0x20a: {  	v18 =	vadd.s32 v0, v12;
	v21 =	vand.u32 $0x3D, v21;
	v26 =	vmov s4;
	s4 =	sadd.s32 $0x3, s25;
	v25 =	vld.idx.msk [tilespmem:v25+s16+$0x0], $0xffff;
	[tilespmem:s2+$0x70] =	vst v16;
	s2 =	smov.u32 s20  }
0x20b: {  	v16 =	vadd.s32 v0, v21;
	v26 =	vand.u32 $0x3E, v26;
	v27 =	vmov s4;
	[tilespmem:s14+$0x20] =	vst v22  }
0x20c: {  	v22 =	vadd.s32 v4, v21;
	v28 =	vadd.s32 v0, v26;
	v27 =	vand.u32 $0x3F, v27;
	[tilespmem:s2+$0x30] =	vst v19;
	v19 =	vld.idx.msk [tilespmem:v24+s16+$0x0], $0xffff  }
0x20d: {  	v24 =	vadd.s32 v0, v27;
	v29 =	vld.idx.msk [tilespmem:v14+s16+$0x0], $0xffff;
	[tilespmem:s0+$0x30] =	vst v20;
	v14 =	vmov v22  }
0x20e: {  	v22 =	vadd.s32 v4, v11;
	v20 =	vld.idx.msk [tilespmem:v23+s16+$0x0], $0xffff;
	[tilespmem:s6+$0x70] =	vst v15;
	s6 =	smov.u32 s14  }
0x20f: {  	v15 =	vld.idx.msk [tilespmem:v18+s16+$0x0], $0xffff;
	v18 =	vadd.s32 v5, v8;
	[tilespmem:s11+$0x30] =	vst v17;
	s11 =	smov.u32 s8  }
0x210: {  	v16 =	vld.idx.msk [tilespmem:v16+s16+$0x0], $0xffff;
	[tilespmem:s8+$0xFFFFFFF0] =	vst v25  }
0x211: {  	s10 =	sadd.s32 $0x200, s10;
	v17 =	vadd.s32 v5, v10;
	v13 =	vld.idx.msk [tilespmem:v13+s16+$0x0], $0xffff  }
0x212: {  	s4 =	sadd.s32 $0xFFFFFE80, s10;
	v23 =	vadd.s32 v1, v12;
	v25 =	vld.idx.msk [tilespmem:v28+s16+$0x0], $0xffff;
	[tilespmem:s6+$0x30] =	vst v19  }
0x213: {  	s4 =	sand.u32 $0x1C00, s4;
	s14 =	sadd.s32 $0xFFFFFF00, s10;
	v19 =	vadd.s32 v5, v9;
	[tilespmem:s2+$0x40] =	vst v29;
	v22 =	vld.idx.msk [tilespmem:v22+s16+$0x0], $0xffff  }
0x214: {  	s4 =	sadd.s32 $0xB100, s4;
	s14 =	sand.u32 $0x280, s14;
	s8 =	sadd.s32 $0x200, s8;
	v28 =	vadd.s32 v1, v21;
	v18 =	vld.idx.msk [tilespmem:v18+s16+$0x0], $0xffff;
	[tilespmem:s0+$0x40] =	vst v20  }
0x215: {  	s20 =	sor.u32 s14, s4;
	s14 =	sadd.s32 $0xFFFFFF80, s10;
	[tilespmem:s8+$0xFFFFFFC0] =	vst v15;
	v15 =	vadd.s32 v1, v26;
	v20 =	vld.idx.msk [tilespmem:v24+s16+$0x0], $0xffff  }
0x216: {  	s14 =	sand.u32 $0x300, s14;
	[tilespmem:s20+$0x0] =	vst v16;
	v16 =	vld.idx.msk [tilespmem:v17+s16+$0x0], $0xffff;
	v17 =	vadd.s32 v5, v11  }
0x217: {  	s22 =	sadd.s32 s14, s4;
	v23 =	vld.idx.msk [tilespmem:v23+s16+$0x0], $0xffff;
	[tilespmem:s11+$0x0] =	vst v13;
	v13 =	vadd.s32 v6, v8  }
0x218: {  	v24 =	vadd.s32 v6, v10;
	[tilespmem:s22+$0x0] =	vst v25;
	v19 =	vld.idx.msk [tilespmem:v19+s16+$0x0], $0xffff  }
0x219: {  	s14 =	sand.u32 $0x380, s10;
	v25 =	vld.idx.msk [tilespmem:v28+s16+$0x0], $0xffff;
	v28 =	vadd.s32 v1, v27;
	[tilespmem:s6+$0x40] =	vst v22  }
0x21a: {  	s14 =	sadd.s32 s14, s4;
	v22 =	vadd.s32 v2, v12;
	v15 =	vld.idx.msk [tilespmem:v15+s16+$0x0], $0xffff;
	[tilespmem:s2+$0x50] =	vst v18  }
0x21b: {  	v18 =	vadd.s32 v2, v21;
	[tilespmem:s14+$0x0] =	vst v20;
	v17 =	vld.idx.msk [tilespmem:v17+s16+$0x0], $0xffff  }
0x21c: {  	v20 =	vadd.s32 v2, v26;
	v13 =	vld.idx.msk [tilespmem:v13+s16+$0x0], $0xffff;
	[tilespmem:s0+$0x50] =	vst v16  }
0x21d: {  	v16 =	vadd.s32 v6, v9;
	[tilespmem:s8+$0xFFFFFFD0] =	vst v23;
	v23 =	vld.idx.msk [tilespmem:v24+s16+$0x0], $0xffff;
	v24 =	vadd.s32 v6, v11  }
0x21e: {  	v28 =	vld.idx.msk [tilespmem:v28+s16+$0x0], $0xffff;
	[tilespmem:s11+$0x10] =	vst v19  }
0x21f: {  	v19 =	vld.idx.msk [tilespmem:v22+s16+$0x0], $0xffff;
	[tilespmem:s20+$0x10] =	vst v25;
	v22 =	vadd.s32 v7, v10;
	v10 =	vmov v26  }
0x220: {  	v26 =	vld.idx.msk [tilespmem:v18+s16+$0x0], $0xffff;
	[tilespmem:s22+$0x10] =	vst v15;
	v15 =	vadd.s32 v7, v8;
	v8 =	vmov v21  }
0x221: {  	v29 =	vadd.s32 v2, v27;
	v20 =	vld.idx.msk [tilespmem:v20+s16+$0x0], $0xffff;
	[tilespmem:s6+$0x50] =	vst v17  }
0x222: {  	v30 =	vadd.s32 v3, v8;
	[tilespmem:s2+$0x60] =	vst v13;
	v13 =	vld.idx.msk [tilespmem:v24+s16+$0x0], $0xffff  }
0x223: {  	v24 =	vadd.s32 v3, v10;
	v21 =	vld.idx.msk [tilespmem:v16+s16+$0x0], $0xffff;
	[tilespmem:s0+$0x60] =	vst v23  }
.Ltmp13:
0x224: {  	v17 =	vadd.s32 v7, v9;
	v9 =	vmov v12;
	v23 =	vadd.s32 v7, v11;
	[tilespmem:s14+$0x10] =	vst v28;
	v18 =	vld.idx.msk [tilespmem:v22+s16+$0x0], $0xffff;
	(pc) =	sbr.rel @p1 .LBB2_18-.Ltmp13, $4  }
0x225: {  	v11 =	vmov v27;
	[tilespmem:s8+$0xFFFFFFE0] =	vst v19;
	v16 =	vld.idx.msk [tilespmem:v15+s16+$0x0], $0xffff  }
0x226: {  	v25 =	vadd.s32 v3, v9;
	[tilespmem:s20+$0x20] =	vst v26;
	v22 =	vld.idx.msk [tilespmem:v29+s16+$0x0], $0xffff  }
0x227: {  	v19 =	vld.idx.msk [tilespmem:v30+s16+$0x0], $0xffff;
	[tilespmem:s22+$0x20] =	vst v20  }
0x228: {  	v20 =	vld.idx.msk [tilespmem:v24+s16+$0x0], $0xffff;
	v24 =	vadd.s32 v3, v11;
	[tilespmem:s6+$0x60] =	vst v13  }
.Ltmp14:
0x229: {  	(pc) =	sbr.rel .LBB2_20-.Ltmp14, $3  }
0x22a: {  	_ =	sdelay $0x1  }
0x22b: {  	s10 =	smov.u32 s11;
	s21 =	smov.u32 s0;
	s25 =	smov.u32 s2  }
0x22c: {  	v12 =	vmovc v9;
	v15 =	vmovc v10;
	s0 =	smov.u32 s22;
	s2 =	smov.u32 s20;
	v26 =	vmov v14;
	v13 =	vmov v11;
	v14 =	vmov v8;
	s11 =	smov.u32 s8  }
.LBB2_17:
.Ltmp15:
0x22d: {  	(pc) =	sbr.rel .LBB2_20-.Ltmp15, $3  }
0x22e: {  	_ =	sdelay $0x1  }
0x22f: {  	s21 =	smov.u32 s0;
	s25 =	smov.u32 s2;
	s10 =	simm.s32 $0xB140  }
0x230: {  	v12 =	vmovc v9;
	v15 =	vmovc v10;
	s0 =	smov.u32 s22;
	s2 =	smov.u32 s20;
	v26 =	vmov v14;
	v13 =	vmov v11;
	v14 =	vmov v8;
	s11 =	simm.s32 $0xB340  }
.LBB2_6:
.Ltmp16:
0x231: {  	(pc) =	sbr.rel .LBB2_11-.Ltmp16, $2  }
0x232: {  	_ =	sdelay $0x2  }
0x233: {  	s6 =	smov.u32 s8  }
.LBB2_8:
.Ltmp17:
0x234: {  	(pc) =	sbr.rel .LBB2_11-.Ltmp17, $3  }
0x235: {  	_ =	sdelay $0x1  }
0x236: {  	s26 =	smov.u32 s22;
	s25 =	smov.u32 s21;
	s20 =	simm.s32 $0x9140  }
0x237: {  	v12 =	vmovc v9;
	v15 =	vmovc v10;
	s22 =	smov.u32 s11;
	s21 =	smov.u32 s0;
	v26 =	vmov v14;
	v13 =	vmov v11;
	v14 =	vmov v8;
	s10 =	simm.s32 $0x9340  }
.LBB2_23:
0x238: {  	_ =	sfence.sel $0x180000  }
0x239: {  	[bflag:$0x0] =	sbarrier.arrive $0xFFFF  }
0x23a: {  	_ =	strace $0x90000047  }
0x23b: {  	s0 =	stileid.u32;
	[bflag:$0x2] =	sbarrier.arrive $0xFFFF  }
0x23c: {  	p0 =	sne.s32 s0, $0x0;
	s0 =	rddreg [dreg:$0x3]  }
0x23d: {  	s0 =	sadd.s32 @!p0 $0x100000, s0  }
0x23e: {  	[sflag:s0] =	ssyncadd.tile.s32 @!p0 $0x1;
	_ =	shalt  }
.Lfunc_end2:
_tile_overlayer_lowered:
.L_overlay_start_2:
0x23f: {  	(tag) =	ssettag $0x2  }
0x240: {  	s0 =	rddreg [dreg:$0x0];
	s2 =	stileid.u32  }
0x241: {  	s1 =	rddreg [dreg:$0x1];
	p0 =	sne.s32 s2, $0x0  }
0x242: {  	s3 =	rddreg [dreg:$0x2];
	[bflag:$0x3] =	sbarrier.arrive $0xFFFF;
	s2 =	simm.s32 @!p0 $0x1C05  }
0x243: {  	[timem:s3], [sflag:s2] =	dma.local @!p0 [hbm:s0], s1  }
0x244: {  	s0 =	simm.s32 @!p0 $0x5  }
0x245: {  	_ =	swait.ge @!p0 [sflag:s0], s1  }
0x246: {  	s1 =	ssub.s32 @!p0 $0x0, s1;
	[sflag:s0] =	ssyncset.done @!p0 $0x0  }
0x247: {  	[sflag:s0] =	ssyncadd.s32 @!p0 s1  }
0x248: {  	[bflag:$0x3] =	sbarrier.arrive $0xFFFF  }
0x249: {  	_ =	shalt  }

</sc_bundles>
